<compile_context>
chip_gen: v7x
topology: tpu7x:2x2x1
jax: 0.10.2.dev20260603
libtpu: 0.0.44.dev20260713+nightly
codegen_flags: <defaults>
</compile_context>

<pallas_src>
import functools

import jax
import jax.numpy as jnp
from jax import lax
from jax.experimental import pallas as pl
from jax.experimental.pallas import tpu as pltpu
from jax.experimental.pallas import tpu_sc as plsc

B = 64
COND = 128
CDIM = 64
NBLK = 4
D = 1000
TOTD = NBLK * D
HID = 256
IN_DIM = COND + 3 * D
_LOG2PI = 1.8378770664093453


def _sc_gather_flow(flow_W1, fidx):
    info = plsc.get_sparse_core_info()
    NC, NS = info.num_cores, info.num_subcores
    R = 256 // (NC * NS)
    mesh = plsc.VectorSubcoreMesh(core_axis_name="c", subcore_axis_name="s")

    @functools.partial(
        pl.kernel,
        mesh=mesh,
        out_type=jax.ShapeDtypeStruct((NBLK, B, HID), jnp.float32),
        scratch_types=[
            pltpu.VMEM((R,), jnp.int32),
            pltpu.VMEM((R, HID), jnp.float32),
            pltpu.SemaphoreType.DMA,
        ],
    )
    def k(fw_hbm, fidx_hbm, f_out, fi_v, fr_v, sem):
        wid = lax.axis_index("s") * NC + lax.axis_index("c")
        base = wid * R
        pltpu.sync_copy(fidx_hbm.at[pl.ds(base, R)], fi_v)
        pltpu.async_copy(fw_hbm.at[fi_v], fr_v, sem).wait()
        jj = base // B
        b0 = base % B
        pltpu.sync_copy(fr_v, f_out.at[jj, pl.ds(b0, R)])

    return k(flow_W1, fidx)


_EXT = [128, 1152, 2176, IN_DIM]


def _disc_body(mwT_ref, probs_ref, mb_ref, idxT_ref,
               cond_ref, x_ref, f_ref, w1_ref, b1_ref, w2_ref, b2_ref,
               out_ref, b0_ref, bb1_ref, b2w_ref, b3_ref, inp_ref, acc_ref,
               sems):
    ct = pl.program_id(0)
    bufs = [b0_ref, bb1_ref, b2w_ref, b3_ref]

    @pl.when(ct == 0)
    def _init():
        for jj in range(NBLK):
            pltpu.make_async_copy(
                mwT_ref.at[pl.ds(jj * D, D), pl.ds(0, _EXT[jj])],
                bufs[jj], sems.at[jj]).start()
        inp_ref[0:COND, :] = jnp.transpose(cond_ref[...])
        inp_ref[COND:, :] = jnp.zeros((3 * D, B), jnp.float32)
        acc_ref[...] = jnp.zeros((8, B), jnp.float32)

    @pl.when(ct > 0)
    def _reveal():
        k = ct - 1
        tgt = jnp.zeros((1, B), jnp.int32)
        for kk in range(3):
            tgt = jnp.where(k == kk, idxT_ref[kk:kk + 1, :], tgt)
        riota = lax.broadcasted_iota(jnp.int32, (D, B), 0)
        oh = (riota == tgt).astype(jnp.float32)
        inp_ref[pl.ds(COND + k * D, D), :] = oh

    def _step(jj):
        e = _EXT[jj]
        pltpu.make_async_copy(
            mwT_ref.at[pl.ds(jj * D, D), pl.ds(0, e)],
            bufs[jj], sems.at[jj]).wait()
        lt = jnp.dot(bufs[jj][...], inp_ref[:e, :],
                     preferred_element_type=jnp.float32)
        pT = jnp.transpose(probs_ref[:, jj * D:(jj + 1) * D])
        bT = jnp.transpose(mb_ref[:, jj * D:(jj + 1) * D])
        uT = jnp.exp(lt + bT) * pT
        tgt_j = idxT_ref[jj:jj + 1, :]
        sel = lax.broadcasted_iota(jnp.int32, (D, B), 0) == tgt_j
        nsum = jnp.sum(uT, axis=0, keepdims=True)
        ssum = jnp.sum(jnp.where(sel, uT, 0.0), axis=0, keepdims=True)
        rows = lax.broadcasted_iota(jnp.int32, (8, B), 0)
        acc_ref[...] = (acc_ref[...]
                        + jnp.where(rows == jj, nsum, 0.0)
                        + jnp.where(rows == NBLK + jj, ssum, 0.0))

    for jj in range(NBLK):
        @pl.when(ct == jj)
        def _(jj=jj):
            _step(jj)

    @pl.when(ct == NBLK - 1)
    def _finish():
        a = acc_ref[...]
        lpd = jnp.sum(jnp.log(a[NBLK:2 * NBLK, :]) - jnp.log(a[0:NBLK, :]),
                      axis=0, keepdims=True)
        cond = cond_ref[...]
        fsum = f_ref[0] + f_ref[1] + f_ref[2] + f_ref[3]
        hpre = jnp.dot(cond, w1_ref[...],
                       preferred_element_type=jnp.float32)
        h = jnp.tanh(hpre + b1_ref[...] + fsum)
        stats = jnp.dot(h, w2_ref[...], preferred_element_type=jnp.float32)
        stats = stats + b2_ref[...]
        mean = stats[:, :CDIM]
        log_std = stats[:, CDIM:]
        z = (x_ref[...] - mean) * jnp.exp(-log_std)
        lpc = jnp.sum(-0.5 * z * z - log_std - 0.5 * _LOG2PI, axis=1,
                      keepdims=True)
        out_ref[...] = lpd + lpc.reshape(1, B)


def _disc_call(mwT, discrete_probs, masked_b, idxT, condition, x, F,
               flow_W1, flow_b1, flow_W2, flow_b2):
    fixed = lambda s: pl.BlockSpec(s, lambda ct: (0,) * len(s))
    return pl.pallas_call(
        _disc_body,
        grid=(NBLK,),
        out_shape=jax.ShapeDtypeStruct((1, B), jnp.float32),
        in_specs=[
            pl.BlockSpec(memory_space=pl.ANY),
            fixed((B, TOTD)),
            fixed((1, TOTD)),
            fixed((NBLK, B)),
            fixed((B, COND)),
            fixed((B, CDIM)),
            fixed((NBLK, B, HID)),
            pl.BlockSpec((COND, HID), lambda ct: (0, 0)),
            fixed((1, HID)),
            fixed((HID, 2 * CDIM)),
            fixed((1, 2 * CDIM)),
        ],
        out_specs=pl.BlockSpec((1, B), lambda ct: (0, 0)),
        scratch_shapes=[
            pltpu.VMEM((D, _EXT[0]), jnp.float32),
            pltpu.VMEM((D, _EXT[1]), jnp.float32),
            pltpu.VMEM((D, _EXT[2]), jnp.float32),
            pltpu.VMEM((D, _EXT[3]), jnp.float32),
            pltpu.VMEM((IN_DIM, B), jnp.float32),
            pltpu.VMEM((8, B), jnp.float32),
            pltpu.SemaphoreType.DMA((4,)),
        ],
    )(mwT, discrete_probs, masked_b.reshape(1, TOTD), idxT, condition, x,
      F, flow_W1, flow_b1.reshape(1, HID), flow_W2,
      flow_b2.reshape(1, 2 * CDIM))


def kernel(indices, x, discrete_probs, condition, masked_W, masked_b,
           flow_W1, flow_b1, flow_W2, flow_b2):
    idx32 = indices.astype(jnp.int32)
    idxT = idx32.T
    offs = COND + jnp.arange(NBLK, dtype=jnp.int32)[:, None] * D
    fidx = (offs + idxT).reshape(-1)

    mwT = masked_W.T

    F = _sc_gather_flow(flow_W1, fidx)
    out = _disc_call(mwT, discrete_probs, masked_b, idxT, condition, x,
                     F, flow_W1, flow_b1, flow_W2, flow_b2)
    return out.reshape(B)

# --- scband reference (transcript-rebuilt; emitter-appended) ---
"""Pipeline reference for scband-mixed-flow-11003706213042 (READ-ONLY COPY).

The authoritative reference and input builder live on the scoring server;
editing this copy changes nothing except your own understanding.
"""

import jax, jax.numpy as jnp
import numpy as np

B = 64
COND = 128
CDIM = 64
DDIMS = [1000, 1000, 1000, 1000]
MAXD = max(DDIMS)
HID = 256


def _autoregressive_mask():
    # input blocks: [conditional(128), d0(1000), d1(1000), d2(1000)] -> block ids 0..3
    in_ids = np.concatenate([np.zeros(COND, np.int32)] + [np.full(d, i + 1, np.int32) for i, d in enumerate(DDIMS[:-1])])
    # output blocks: one per discrete dim, block id j
    out_ids = np.concatenate([np.full(d, i, np.int32) for i, d in enumerate(DDIMS)])
    # output block j may see conditional (block 0) and discrete blocks < j (blocks 1..j)
    return jnp.asarray((in_ids[:, None] <= out_ids[None, :]).astype(np.float32))


def _segment_ids():
    return jnp.asarray(np.concatenate([np.full(d, i, np.int64) for i, d in enumerate(DDIMS)]))


def setup_inputs(seed: int = 0) -> dict:
    key = jax.random.key(seed)
    ks = jax.random.split(key, 8)
    indices = jax.random.randint(ks[0], (B, len(DDIMS)), 0, MAXD)
    x = jax.random.normal(ks[1], (B, CDIM), dtype=jnp.float32)
    discrete_probs = jax.random.uniform(ks[2], (B, sum(DDIMS)), dtype=jnp.float32, minval=1e-3, maxval=1.0)
    condition = jax.random.normal(ks[3], (B, COND), dtype=jnp.float32)
    in_dim = COND + sum(DDIMS[:-1])
    out_dim = sum(DDIMS)
    masked_W = jax.random.normal(ks[4], (in_dim, out_dim), dtype=jnp.float32) * 0.01
    masked_b = jnp.zeros((out_dim,), dtype=jnp.float32)
    c_dim = COND + sum(DDIMS)
    flow_W1 = jax.random.normal(ks[5], (c_dim, HID), dtype=jnp.float32) * 0.02
    flow_b1 = jnp.zeros((HID,), dtype=jnp.float32)
    flow_W2 = jax.random.normal(ks[6], (HID, 2 * CDIM), dtype=jnp.float32) * 0.02
    flow_b2 = jnp.zeros((2 * CDIM,), dtype=jnp.float32)
    return dict(indices=indices, x=x, discrete_probs=discrete_probs, condition=condition,
                masked_W=masked_W, masked_b=masked_b,
                flow_W1=flow_W1, flow_b1=flow_b1, flow_W2=flow_W2, flow_b2=flow_b2)


def reference(indices, x, discrete_probs, condition, masked_W, masked_b, flow_W1, flow_b1, flow_W2, flow_b2):
    mask = _autoregressive_mask()
    seg = _segment_ids()
    n = x.shape[0]
    # one-hot encode; all discrete dims equal max_dim so one_hot_mask is all True
    x_discrete = jax.nn.one_hot(indices, MAXD, dtype=x.dtype).reshape(n, -1)
    input_disc = jnp.concatenate([condition, x_discrete], axis=1)
    # masked autoregressive net over all but the last discrete block
    net_in = input_disc[:, :-DDIMS[-1]]
    logits = net_in @ (masked_W * mask) + masked_b
    unnorm_prob_disc = jnp.exp(logits) * discrete_probs
    # scatter_add over category blocks (segment reduction along feature axis)
    prob_norms = jax.ops.segment_sum(unnorm_prob_disc.T, seg, num_segments=len(DDIMS)).T
    prob_sums = jax.ops.segment_sum((unnorm_prob_disc * x_discrete).T, seg, num_segments=len(DDIMS)).T
    prob_disc = jnp.prod(prob_sums / prob_norms, axis=1)
    # flow log_prob: conditional affine (diagonal Gaussian) given c=input_disc
    h = jnp.tanh(input_disc @ flow_W1 + flow_b1)
    stats = h @ flow_W2 + flow_b2
    mean, log_std = stats[:, :CDIM], stats[:, CDIM:]
    z = (x - mean) / jnp.exp(log_std)
    log_prob_cont = jnp.sum(-0.5 * z * z - log_std - 0.5 * jnp.log(2.0 * jnp.pi), axis=1)
    return jnp.log(prob_disc) + log_prob_cont

if __name__ == "__main__":
    import jax
    _d = setup_inputs()
    print(jax.jit(kernel)(*tuple(_d.values())))

</pallas_src>

<mosaic_0001>
#map = affine_map<(d0, d1) -> (0, 0)>
#map1 = affine_map<(d0, d1) -> (0)>
#map2 = affine_map<(d0, d1) -> (0, 0, 0)>
module attributes {stable_mosaic.version = 14 : i64} {
  func.func @k(%arg0: i32, %arg1: i32, %arg2: memref<4128x256xf32, #tpu.memory_space<hbm>>, %arg3: memref<256xi32, #tpu.memory_space<hbm>>, %arg4: memref<4x64x256xf32, #tpu.memory_space<hbm>>, %arg5: memref<8xi32, #tpu.memory_space<vmem>>, %arg6: memref<8x256xf32, #tpu.memory_space<vmem>>, %arg7: memref<!tpu.dma_semaphore, #tpu.memory_space<semaphore_mem>>) attributes {dimension_semantics = [#tpu.dimension_semantics<core_parallel>, #tpu.dimension_semantics<subcore_parallel>], iteration_bounds = array<i64: 2, 16>, scalar_prefetch = 0 : i64, scratch_operands = 3 : i64, tpu.core_type = #tpu.core_type<sc_vector_subcore>, window_params = [{transform_indices = #map}, {transform_indices = #map1}, {transform_indices = #map2}]} {
    %mul3A = arith.constant 2 : i32
    %mul3A_0 = arith.muli %arg1, %mul3A : i32
    %add3A = arith.addi %mul3A_0, %arg0 : i32
    %mul3A_1 = arith.constant 8 : i32
    %mul3A_2 = arith.muli %add3A, %mul3A_1 : i32
    "tpu.region"() ({
      %run_scoped3A = tpu.sem_alloc : memref<!tpu.dma_semaphore, #tpu.memory_space<semaphore_mem>>
      %dma_start3A_37 = tpu.memref_slice %arg3[%mul3A_2] : memref<256xi32, #tpu.memory_space<hbm>> -> memref<8xi32, #tpu.memory_space<hbm>>
      %dma_start3A_38 = tpu.memref_slice %arg3[%mul3A_2] : memref<256xi32, #tpu.memory_space<hbm>> -> memref<8xi32, #tpu.memory_space<hbm>>
      tpu.enqueue_dma source(%dma_start3A_38 : memref<8xi32, #tpu.memory_space<hbm>>) target(%arg5 : memref<8xi32, #tpu.memory_space<vmem>>) target_semaphore(%run_scoped3A : memref<!tpu.dma_semaphore, #tpu.memory_space<semaphore_mem>>)
      %dma_wait3A_39 = tpu.memref_slice %arg3[%mul3A_2] : memref<256xi32, #tpu.memory_space<hbm>> -> memref<8xi32, #tpu.memory_space<hbm>>
      %dma_wait3A_40 = tpu.memref_slice %arg3[%mul3A_2] : memref<256xi32, #tpu.memory_space<hbm>> -> memref<8xi32, #tpu.memory_space<hbm>>
      tpu.wait_dma2 semaphore(%run_scoped3A : memref<!tpu.dma_semaphore, #tpu.memory_space<semaphore_mem>>) src(%dma_wait3A_40 : memref<8xi32, #tpu.memory_space<hbm>>) dst(%arg5 : memref<8xi32, #tpu.memory_space<vmem>>)
      tpu.yield
    }) : () -> ()
    %dma_start3A = arith.constant 0 : i32
    %dma_start3A_3 = arith.constant 0 : i32
    %dma_start3A_4 = tpu.memref_slice %arg2[%dma_start3A, %dma_start3A_3] : memref<4128x256xf32, #tpu.memory_space<hbm>> -> memref<4128x256xf32, #tpu.memory_space<hbm>>
    tpu.enqueue_indirect_dma source(%dma_start3A_4 : memref<4128x256xf32, #tpu.memory_space<hbm>>) target(%arg6 : memref<8x256xf32, #tpu.memory_space<vmem>>) offsets(%arg5 : memref<8xi32, #tpu.memory_space<vmem>>) semaphore(%arg7 : memref<!tpu.dma_semaphore, #tpu.memory_space<semaphore_mem>>)
    %dma_wait3A = arith.constant 0 : i32
    %dma_wait3A_5 = arith.constant 0 : i32
    %dma_wait3A_6 = tpu.memref_slice %arg2[%dma_wait3A, %dma_wait3A_5] : memref<4128x256xf32, #tpu.memory_space<hbm>> -> memref<4128x256xf32, #tpu.memory_space<hbm>>
    tpu.wait_indirect_dma semaphore(%arg7 : memref<!tpu.dma_semaphore, #tpu.memory_space<semaphore_mem>>) src(%dma_wait3A_6 : memref<4128x256xf32, #tpu.memory_space<hbm>>) dst(%arg6 : memref<8x256xf32, #tpu.memory_space<vmem>>)
    %jit3A = arith.constant 64 : i32
    %div3A = arith.divsi %mul3A_2, %jit3A : i32
    %sign3A = arith.constant 0 : i32
    %sign3A_7 = arith.cmpi sgt, %mul3A_2, %sign3A : i32
    %sign3A_8 = arith.extui %sign3A_7 : i1 to i32
    %sign3A_9 = arith.constant 0 : i32
    %sign3A_10 = arith.cmpi slt, %mul3A_2, %sign3A_9 : i32
    %sign3A_11 = arith.extui %sign3A_10 : i1 to i32
    %sign3A_12 = arith.subi %sign3A_8, %sign3A_11 : i32
    %sign3A_13 = arith.constant 0 : i32
    %sign3A_14 = arith.cmpi sgt, %jit3A, %sign3A_13 : i32
    %sign3A_15 = arith.extui %sign3A_14 : i1 to i32
    %sign3A_16 = arith.constant 0 : i32
    %sign3A_17 = arith.cmpi slt, %jit3A, %sign3A_16 : i32
    %sign3A_18 = arith.extui %sign3A_17 : i1 to i32
    %sign3A_19 = arith.subi %sign3A_15, %sign3A_18 : i32
    %ne3A = arith.cmpi ne, %sign3A_12, %sign3A_19 : i32
    %rem3A = arith.remsi %mul3A_2, %jit3A : i32
    %ne3A_20 = arith.constant 0 : i32
    %ne3A_21 = arith.cmpi ne, %rem3A, %ne3A_20 : i32
    %and3A = arith.andi %ne3A, %ne3A_21 : i1
    %sub3A = arith.constant 1 : i32
    %sub3A_22 = arith.subi %div3A, %sub3A : i32
    %select_n3A = arith.select %and3A, %sub3A_22, %div3A : i32
    %jit3A_23 = arith.constant 64 : i32
    %eq3A = arith.constant 0 : i32
    %eq3A_24 = arith.cmpi eq, %jit3A_23, %eq3A : i32
    %jit3A_25 = arith.constant 1 : i32
    %select_n3A_26 = arith.select %eq3A_24, %jit3A_25, %jit3A_23 : i32
    %rem3A_27 = arith.remsi %mul3A_2, %select_n3A_26 : i32
    %ne3A_28 = arith.constant 0 : i32
    %ne3A_29 = arith.cmpi ne, %rem3A_27, %ne3A_28 : i32
    %lt3A = arith.constant 0 : i32
    %lt3A_30 = arith.cmpi slt, %rem3A_27, %lt3A : i32
    %lt3A_31 = arith.constant 0 : i32
    %lt3A_32 = arith.cmpi slt, %select_n3A_26, %lt3A_31 : i32
    %ne3A_33 = arith.xori %lt3A_30, %lt3A_32 : i1
    %and3A_34 = arith.andi %ne3A_33, %ne3A_29 : i1
    %add3A_35 = arith.addi %rem3A_27, %select_n3A_26 : i32
    %select_n3A_36 = arith.select %and3A_34, %add3A_35, %rem3A_27 : i32
    "tpu.region"() ({
      %run_scoped3A = tpu.sem_alloc : memref<!tpu.dma_semaphore, #tpu.memory_space<semaphore_mem>>
      %dma_start3A_37 = arith.constant 0 : i32
      %dma_start3A_38 = tpu.memref_slice %arg4[%select_n3A, %select_n3A_36, %dma_start3A_37] : memref<4x64x256xf32, #tpu.memory_space<hbm>> -> memref<1x8x256xf32, #tpu.memory_space<hbm>>
      %dma_start3A_39 = tpu.memref_squeeze %dma_start3A_38 : memref<1x8x256xf32, #tpu.memory_space<hbm>> -> memref<8x256xf32, #tpu.memory_space<hbm>>
      %dma_start3A_40 = arith.constant 0 : i32
      %dma_start3A_41 = tpu.memref_slice %arg4[%select_n3A, %select_n3A_36, %dma_start3A_40] : memref<4x64x256xf32, #tpu.memory_space<hbm>> -> memref<1x8x256xf32, #tpu.memory_space<hbm>>
      %dma_start3A_42 = tpu.memref_squeeze %dma_start3A_41 : memref<1x8x256xf32, #tpu.memory_space<hbm>> -> memref<8x256xf32, #tpu.memory_space<hbm>>
      tpu.enqueue_dma source(%arg6 : memref<8x256xf32, #tpu.memory_space<vmem>>) target(%dma_start3A_42 : memref<8x256xf32, #tpu.memory_space<hbm>>) target_semaphore(%run_scoped3A : memref<!tpu.dma_semaphore, #tpu.memory_space<semaphore_mem>>)
      %dma_wait3A_43 = arith.constant 0 : i32
      %dma_wait3A_44 = tpu.memref_slice %arg4[%select_n3A, %select_n3A_36, %dma_wait3A_43] : memref<4x64x256xf32, #tpu.memory_space<hbm>> -> memref<1x8x256xf32, #tpu.memory_space<hbm>>
      %dma_wait3A_45 = tpu.memref_squeeze %dma_wait3A_44 : memref<1x8x256xf32, #tpu.memory_space<hbm>> -> memref<8x256xf32, #tpu.memory_space<hbm>>
      %dma_wait3A_46 = arith.constant 0 : i32
      %dma_wait3A_47 = tpu.memref_slice %arg4[%select_n3A, %select_n3A_36, %dma_wait3A_46] : memref<4x64x256xf32, #tpu.memory_space<hbm>> -> memref<1x8x256xf32, #tpu.memory_space<hbm>>
      %dma_wait3A_48 = tpu.memref_squeeze %dma_wait3A_47 : memref<1x8x256xf32, #tpu.memory_space<hbm>> -> memref<8x256xf32, #tpu.memory_space<hbm>>
      tpu.wait_dma2 semaphore(%run_scoped3A : memref<!tpu.dma_semaphore, #tpu.memory_space<semaphore_mem>>) src(%arg6 : memref<8x256xf32, #tpu.memory_space<vmem>>) dst(%dma_wait3A_48 : memref<8x256xf32, #tpu.memory_space<hbm>>)
      tpu.yield
    }) : () -> ()
    return
  }
}

module attributes {stable_mosaic.version = 14 : i64} {
  func.func @_disc_body(%arg0: i32, %arg1: memref<4000x3128xf32, #tpu.memory_space<any>>, %arg2: memref<64x4000xf32, #tpu.memory_space<vmem>>, %arg3: memref<1x4000xf32, #tpu.memory_space<vmem>>, %arg4: memref<4x64xi32, #tpu.memory_space<vmem>>, %arg5: memref<64x128xf32, #tpu.memory_space<vmem>>, %arg6: memref<64x64xf32, #tpu.memory_space<vmem>>, %arg7: memref<4x64x256xf32, #tpu.memory_space<vmem>>, %arg8: memref<128x256xf32, #tpu.memory_space<vmem>>, %arg9: memref<1x256xf32, #tpu.memory_space<vmem>>, %arg10: memref<256x128xf32, #tpu.memory_space<vmem>>, %arg11: memref<1x128xf32, #tpu.memory_space<vmem>>, %arg12: memref<1x64xf32, #tpu.memory_space<vmem>>, %arg13: memref<1000x128xf32, #tpu.memory_space<vmem>>, %arg14: memref<1000x1152xf32, #tpu.memory_space<vmem>>, %arg15: memref<1000x2176xf32, #tpu.memory_space<vmem>>, %arg16: memref<1000x3128xf32, #tpu.memory_space<vmem>>, %arg17: memref<3128x64xf32, #tpu.memory_space<vmem>>, %arg18: memref<8x64xf32, #tpu.memory_space<vmem>>, %arg19: memref<4x!tpu.dma_semaphore, #tpu.memory_space<semaphore_mem>>) attributes {dimension_semantics = [#tpu.dimension_semantics<arbitrary>], iteration_bounds = array<i64: 4>, scalar_prefetch = 0 : i64, scratch_operands = 7 : i64, tpu.core_type = #tpu.core_type<tc>, window_params = [{}, {pipeline_mode = #tpu.pipeline_mode<synchronous>, transform_indices = @transform_1, window_bounds = array<i64: 64, 4000>}, {pipeline_mode = #tpu.pipeline_mode<synchronous>, transform_indices = @transform_2, window_bounds = array<i64: 1, 4000>}, {pipeline_mode = #tpu.pipeline_mode<synchronous>, transform_indices = @transform_3, window_bounds = array<i64: 4, 64>}, {pipeline_mode = #tpu.pipeline_mode<synchronous>, transform_indices = @transform_4, window_bounds = array<i64: 64, 128>}, {pipeline_mode = #tpu.pipeline_mode<synchronous>, transform_indices = @transform_5, window_bounds = array<i64: 64, 64>}, {pipeline_mode = #tpu.pipeline_mode<synchronous>, transform_indices = @transform_6, window_bounds = array<i64: 4, 64, 256>}, {transform_indices = @transform_7, window_bounds = array<i64: 128, 256>}, {pipeline_mode = #tpu.pipeline_mode<synchronous>, transform_indices = @transform_8, window_bounds = array<i64: 1, 256>}, {pipeline_mode = #tpu.pipeline_mode<synchronous>, transform_indices = @transform_9, window_bounds = array<i64: 256, 128>}, {pipeline_mode = #tpu.pipeline_mode<synchronous>, transform_indices = @transform_10, window_bounds = array<i64: 1, 128>}, {pipeline_mode = #tpu.pipeline_mode<synchronous>, transform_indices = @transform_11, window_bounds = array<i64: 1, 64>}]} {
    %eq3A = arith.constant 0 : i32
    %eq3A_0 = arith.cmpi eq, %arg0, %eq3A : i32
    %convert_element_type3A = arith.extui %eq3A_0 : i1 to i32
    %cond3A = arith.constant 0 : i32
    %cond3A_1 = arith.cmpi ne, %convert_element_type3A, %cond3A : i32
    scf.if %cond3A_1 {
      %dma_start3A = arith.constant 0 : i32
      %dma_start3A_31 = tpu.memref_slice %arg19[%dma_start3A] : memref<4x!tpu.dma_semaphore, #tpu.memory_space<semaphore_mem>> -> memref<1x!tpu.dma_semaphore, #tpu.memory_space<semaphore_mem>>
      %dma_start3A_32 = tpu.memref_squeeze %dma_start3A_31 : memref<1x!tpu.dma_semaphore, #tpu.memory_space<semaphore_mem>> -> memref<!tpu.dma_semaphore, #tpu.memory_space<semaphore_mem>>
      %dma_start3A_33 = arith.constant 0 : i32
      %dma_start3A_34 = arith.constant 0 : i32
      %dma_start3A_35 = tpu.memref_slice %arg1[%dma_start3A_33, %dma_start3A_34] : memref<4000x3128xf32, #tpu.memory_space<any>> -> memref<1000x128xf32, #tpu.memory_space<any>>
      tpu.enqueue_dma source(%dma_start3A_35 : memref<1000x128xf32, #tpu.memory_space<any>>) target(%arg13 : memref<1000x128xf32, #tpu.memory_space<vmem>>) target_semaphore(%dma_start3A_32 : memref<!tpu.dma_semaphore, #tpu.memory_space<semaphore_mem>>)
      %dma_start3A_36 = arith.constant 1 : i32
      %dma_start3A_37 = tpu.memref_slice %arg19[%dma_start3A_36] : memref<4x!tpu.dma_semaphore, #tpu.memory_space<semaphore_mem>> -> memref<1x!tpu.dma_semaphore, #tpu.memory_space<semaphore_mem>>
      %dma_start3A_38 = tpu.memref_squeeze %dma_start3A_37 : memref<1x!tpu.dma_semaphore, #tpu.memory_space<semaphore_mem>> -> memref<!tpu.dma_semaphore, #tpu.memory_space<semaphore_mem>>
      %dma_start3A_39 = arith.constant 1000 : i32
      %dma_start3A_40 = arith.constant 0 : i32
      %dma_start3A_41 = tpu.memref_slice %arg1[%dma_start3A_39, %dma_start3A_40] : memref<4000x3128xf32, #tpu.memory_space<any>> -> memref<1000x1152xf32, #tpu.memory_space<any>>
      tpu.enqueue_dma source(%dma_start3A_41 : memref<1000x1152xf32, #tpu.memory_space<any>>) target(%arg14 : memref<1000x1152xf32, #tpu.memory_space<vmem>>) target_semaphore(%dma_start3A_38 : memref<!tpu.dma_semaphore, #tpu.memory_space<semaphore_mem>>)
      %dma_start3A_42 = arith.constant 2 : i32
      %dma_start3A_43 = tpu.memref_slice %arg19[%dma_start3A_42] : memref<4x!tpu.dma_semaphore, #tpu.memory_space<semaphore_mem>> -> memref<1x!tpu.dma_semaphore, #tpu.memory_space<semaphore_mem>>
      %dma_start3A_44 = tpu.memref_squeeze %dma_start3A_43 : memref<1x!tpu.dma_semaphore, #tpu.memory_space<semaphore_mem>> -> memref<!tpu.dma_semaphore, #tpu.memory_space<semaphore_mem>>
      %dma_start3A_45 = arith.constant 2000 : i32
      %dma_start3A_46 = arith.constant 0 : i32
      %dma_start3A_47 = tpu.memref_slice %arg1[%dma_start3A_45, %dma_start3A_46] : memref<4000x3128xf32, #tpu.memory_space<any>> -> memref<1000x2176xf32, #tpu.memory_space<any>>
      tpu.enqueue_dma source(%dma_start3A_47 : memref<1000x2176xf32, #tpu.memory_space<any>>) target(%arg15 : memref<1000x2176xf32, #tpu.memory_space<vmem>>) target_semaphore(%dma_start3A_44 : memref<!tpu.dma_semaphore, #tpu.memory_space<semaphore_mem>>)
      %dma_start3A_48 = arith.constant 3 : i32
      %dma_start3A_49 = tpu.memref_slice %arg19[%dma_start3A_48] : memref<4x!tpu.dma_semaphore, #tpu.memory_space<semaphore_mem>> -> memref<1x!tpu.dma_semaphore, #tpu.memory_space<semaphore_mem>>
      %dma_start3A_50 = tpu.memref_squeeze %dma_start3A_49 : memref<1x!tpu.dma_semaphore, #tpu.memory_space<semaphore_mem>> -> memref<!tpu.dma_semaphore, #tpu.memory_space<semaphore_mem>>
      %dma_start3A_51 = arith.constant 3000 : i32
      %dma_start3A_52 = arith.constant 0 : i32
      %dma_start3A_53 = tpu.memref_slice %arg1[%dma_start3A_51, %dma_start3A_52] : memref<4000x3128xf32, #tpu.memory_space<any>> -> memref<1000x3128xf32, #tpu.memory_space<any>>
      tpu.enqueue_dma source(%dma_start3A_53 : memref<1000x3128xf32, #tpu.memory_space<any>>) target(%arg16 : memref<1000x3128xf32, #tpu.memory_space<vmem>>) target_semaphore(%dma_start3A_50 : memref<!tpu.dma_semaphore, #tpu.memory_space<semaphore_mem>>)
      %get3A = arith.constant 0 : index
      %get3A_54 = arith.constant 0 : index
      %get3A_55 = vector.load %arg5[%get3A, %get3A_54] : memref<64x128xf32, #tpu.memory_space<vmem>>, vector<64x128xf32>
      %transpose3A = tpu.transpose %get3A_55, [1, 0] : vector<64x128xf32> -> vector<128x64xf32>
      %swap3A = arith.constant 0 : index
      %swap3A_56 = arith.constant 0 : index
      %swap3A_57 = vector.load %arg17[%swap3A, %swap3A_56] : memref<3128x64xf32, #tpu.memory_space<vmem>>, vector<128x64xf32>
      tpu.vector_store %arg17[%swap3A, %swap3A_56], %transpose3A {strides = array<i32>} : memref<3128x64xf32, #tpu.memory_space<vmem>>, vector<128x64xf32>,
      %broadcast_in_dim3A = arith.constant 0.000000e+00 : f32
      %broadcast_in_dim3A_58 = vector.broadcast %broadcast_in_dim3A : f32 to vector<3000x64xf32>
      %swap3A_59 = arith.constant 128 : index
      %swap3A_60 = arith.constant 0 : index
      %swap3A_61 = vector.load %arg17[%swap3A_59, %swap3A_60] : memref<3128x64xf32, #tpu.memory_space<vmem>>, vector<3000x64xf32>
      tpu.vector_store %arg17[%swap3A_59, %swap3A_60], %broadcast_in_dim3A_58 {strides = array<i32>} : memref<3128x64xf32, #tpu.memory_space<vmem>>, vector<3000x64xf32>,
      %broadcast_in_dim3A_62 = arith.constant 0.000000e+00 : f32
      %broadcast_in_dim3A_63 = vector.broadcast %broadcast_in_dim3A_62 : f32 to vector<8x64xf32>
      %swap3A_64 = arith.constant 0 : index
      %swap3A_65 = arith.constant 0 : index
      %swap3A_66 = vector.load %arg18[%swap3A_64, %swap3A_65] : memref<8x64xf32, #tpu.memory_space<vmem>>, vector<8x64xf32>
      tpu.vector_store %arg18[%swap3A_64, %swap3A_65], %broadcast_in_dim3A_63 {strides = array<i32>} : memref<8x64xf32, #tpu.memory_space<vmem>>, vector<8x64xf32>,
    } else {
    }
    %gt3A = arith.constant 0 : i32
    %gt3A_2 = arith.cmpi sgt, %arg0, %gt3A : i32
    %convert_element_type3A_3 = arith.extui %gt3A_2 : i1 to i32
    %cond3A_4 = arith.constant 0 : i32
    %cond3A_5 = arith.cmpi ne, %convert_element_type3A_3, %cond3A_4 : i32
    scf.if %cond3A_5 {
      %sub3A = arith.constant 1 : i32
      %sub3A_31 = arith.subi %arg0, %sub3A : i32
      %broadcast_in_dim3A = arith.constant 0 : i32
      %broadcast_in_dim3A_32 = vector.broadcast %broadcast_in_dim3A : i32 to vector<1x64xi32>
      %eq3A_33 = arith.constant 0 : i32
      %eq3A_34 = arith.cmpi eq, %sub3A_31, %eq3A_33 : i32
      %get3A = arith.constant 0 : index
      %get3A_35 = arith.constant 0 : index
      %get3A_36 = vector.load %arg4[%get3A, %get3A_35] : memref<4x64xi32, #tpu.memory_space<vmem>>, vector<1x64xi32>
      %select_n3A = arith.select %eq3A_34, %get3A_36, %broadcast_in_dim3A_32 : vector<1x64xi32>
      %eq3A_37 = arith.constant 1 : i32
      %eq3A_38 = arith.cmpi eq, %sub3A_31, %eq3A_37 : i32
      %get3A_39 = arith.constant 1 : index
      %get3A_40 = arith.constant 0 : index
      %get3A_41 = vector.load %arg4[%get3A_39, %get3A_40] : memref<4x64xi32, #tpu.memory_space<vmem>>, vector<1x64xi32>
      %select_n3A_42 = arith.select %eq3A_38, %get3A_41, %select_n3A : vector<1x64xi32>
      %eq3A_43 = arith.constant 2 : i32
      %eq3A_44 = arith.cmpi eq, %sub3A_31, %eq3A_43 : i32
      %get3A_45 = arith.constant 2 : index
      %get3A_46 = arith.constant 0 : index
      %get3A_47 = vector.load %arg4[%get3A_45, %get3A_46] : memref<4x64xi32, #tpu.memory_space<vmem>>, vector<1x64xi32>
      %select_n3A_48 = arith.select %eq3A_44, %get3A_47, %select_n3A_42 : vector<1x64xi32>
      %iota3A = tpu.iota {dimensions = array<i32: 0>} : vector<1000x64xi32>
      %eq3A_49 = vector.broadcast %select_n3A_48 : vector<1x64xi32> to vector<1000x64xi32>
      %eq3A_50 = arith.cmpi eq, %iota3A, %eq3A_49 : vector<1000x64xi32>
      %convert_element_type3A_51 = arith.extui %eq3A_50 : vector<1000x64xi1> to vector<1000x64xi32>
      %convert_element_type3A_52 = arith.sitofp %convert_element_type3A_51 : vector<1000x64xi32> to vector<1000x64xf32>
      %mul3A = arith.constant 1000 : i32
      %mul3A_53 = arith.muli %sub3A_31, %mul3A : i32
      %add3A = arith.constant 128 : i32
      %add3A_54 = arith.addi %add3A, %mul3A_53 : i32
      %swap3A = arith.index_cast %add3A_54 : i32 to index
      %swap3A_55 = arith.constant 0 : index
      %swap3A_56 = vector.load %arg17[%swap3A, %swap3A_55] : memref<3128x64xf32, #tpu.memory_space<vmem>>, vector<1000x64xf32>
      tpu.vector_store %arg17[%swap3A, %swap3A_55], %convert_element_type3A_52 {strides = array<i32>} : memref<3128x64xf32, #tpu.memory_space<vmem>>, vector<1000x64xf32>,
    } else {
    }
    %eq3A_6 = arith.constant 0 : i32
    %eq3A_7 = arith.cmpi eq, %arg0, %eq3A_6 : i32
    %convert_element_type3A_8 = arith.extui %eq3A_7 : i1 to i32
    %cond3A_9 = arith.constant 0 : i32
    %cond3A_10 = arith.cmpi ne, %convert_element_type3A_8, %cond3A_9 : i32
    scf.if %cond3A_10 {
      %dma_wait3A = arith.constant 0 : i32
      %dma_wait3A_31 = tpu.memref_slice %arg19[%dma_wait3A] : memref<4x!tpu.dma_semaphore, #tpu.memory_space<semaphore_mem>> -> memref<1x!tpu.dma_semaphore, #tpu.memory_space<semaphore_mem>>
      %dma_wait3A_32 = tpu.memref_squeeze %dma_wait3A_31 : memref<1x!tpu.dma_semaphore, #tpu.memory_space<semaphore_mem>> -> memref<!tpu.dma_semaphore, #tpu.memory_space<semaphore_mem>>
      %dma_wait3A_33 = arith.constant 0 : i32
      %dma_wait3A_34 = arith.constant 0 : i32
      %dma_wait3A_35 = tpu.memref_slice %arg1[%dma_wait3A_33, %dma_wait3A_34] : memref<4000x3128xf32, #tpu.memory_space<any>> -> memref<1000x128xf32, #tpu.memory_space<any>>
      tpu.wait_dma2 semaphore(%dma_wait3A_32 : memref<!tpu.dma_semaphore, #tpu.memory_space<semaphore_mem>>) src(%dma_wait3A_35 : memref<1000x128xf32, #tpu.memory_space<any>>) dst(%arg13 : memref<1000x128xf32, #tpu.memory_space<vmem>>)
      %get3A = arith.constant 0 : index
      %get3A_36 = arith.constant 0 : index
      %get3A_37 = vector.load %arg13[%get3A, %get3A_36] : memref<1000x128xf32, #tpu.memory_space<vmem>>, vector<1000x128xf32>
      %get3A_38 = arith.constant 0 : index
      %get3A_39 = arith.constant 0 : index
      %get3A_40 = vector.load %arg17[%get3A_38, %get3A_39] : memref<3128x64xf32, #tpu.memory_space<vmem>>, vector<128x64xf32>
      %dot_general3A = arith.constant dense<0.000000e+00> : vector<1000x64xf32>
      %dot_general3A_41 = tpu.matmul %get3A_37, %get3A_40, %dot_general3A {dimension_numbers = #tpu.dot_dimension_numbers<[1], [0], [0], [1], [0, 0, 1, 1], [], []>, transpose_lhs_hint = false} : vector<1000x128xf32>, vector<128x64xf32>, vector<1000x64xf32> -> vector<1000x64xf32>
      %get3A_42 = arith.constant 0 : index
      %get3A_43 = arith.constant 0 : index
      %get3A_44 = vector.load %arg2[%get3A_42, %get3A_43] : memref<64x4000xf32, #tpu.memory_space<vmem>>, vector<64x1000xf32>
      %transpose3A = tpu.transpose %get3A_44, [1, 0] : vector<64x1000xf32> -> vector<1000x64xf32>
      %get3A_45 = arith.constant 0 : index
      %get3A_46 = arith.constant 0 : index
      %get3A_47 = vector.load %arg3[%get3A_45, %get3A_46] : memref<1x4000xf32, #tpu.memory_space<vmem>>, vector<1x1000xf32>
      %transpose3A_48 = tpu.transpose %get3A_47, [1, 0] : vector<1x1000xf32> -> vector<1000x1xf32>
      %add3A = vector.broadcast %transpose3A_48 : vector<1000x1xf32> to vector<1000x64xf32>
      %add3A_49 = arith.addf %dot_general3A_41, %add3A : vector<1000x64xf32>
      %exp3A = math.exp %add3A_49 : vector<1000x64xf32>
      %mul3A = arith.mulf %exp3A, %transpose3A : vector<1000x64xf32>
      %get3A_50 = arith.constant 0 : index
      %get3A_51 = arith.constant 0 : index
      %get3A_52 = vector.load %arg4[%get3A_50, %get3A_51] : memref<4x64xi32, #tpu.memory_space<vmem>>, vector<1x64xi32>
      %iota3A = tpu.iota {dimensions = array<i32: 0>} : vector<1000x64xi32>
      %eq3A_53 = vector.broadcast %get3A_52 : vector<1x64xi32> to vector<1000x64xi32>
      %eq3A_54 = arith.cmpi eq, %iota3A, %eq3A_53 : vector<1000x64xi32>
      %reduce_sum3A = arith.constant dense<0.000000e+00> : vector<64xf32>
      %reduce_sum3A_55 = vector.multi_reduction <add>, %mul3A, %reduce_sum3A [0] : vector<1000x64xf32> to vector<64xf32>
      %broadcast_in_dim3A = vector.shape_cast %reduce_sum3A_55 : vector<64xf32> to vector<1x64xf32>
      %jit3A = arith.constant 0.000000e+00 : f32
      %broadcast_in_dim3A_56 = vector.broadcast %jit3A : f32 to vector<1000x64xf32>
      %select_n3A = arith.select %eq3A_54, %mul3A, %broadcast_in_dim3A_56 : vector<1000x64xi1>, vector<1000x64xf32>
      %reduce_sum3A_57 = arith.constant dense<0.000000e+00> : vector<64xf32>
      %reduce_sum3A_58 = vector.multi_reduction <add>, %select_n3A, %reduce_sum3A_57 [0] : vector<1000x64xf32> to vector<64xf32>
      %broadcast_in_dim3A_59 = vector.shape_cast %reduce_sum3A_58 : vector<64xf32> to vector<1x64xf32>
      %iota3A_60 = tpu.iota {dimensions = array<i32: 0>} : vector<8x64xi32>
      %get3A_61 = arith.constant 0 : index
      %get3A_62 = arith.constant 0 : index
      %get3A_63 = vector.load %arg18[%get3A_61, %get3A_62] : memref<8x64xf32, #tpu.memory_space<vmem>>, vector<8x64xf32>
      %eq3A_64 = arith.constant 0 : i32
      %eq3A_65 = vector.broadcast %eq3A_64 : i32 to vector<8x64xi32>
      %eq3A_66 = arith.cmpi eq, %iota3A_60, %eq3A_65 : vector<8x64xi32>
      %jit3A_67 = arith.constant 0.000000e+00 : f32
      %broadcast_in_dim3A_68 = vector.shape_cast %broadcast_in_dim3A : vector<1x64xf32> to vector<1x64xf32>
      %broadcast_in_dim3A_69 = vector.broadcast %broadcast_in_dim3A_68 : vector<1x64xf32> to vector<8x64xf32>
      %broadcast_in_dim3A_70 = vector.broadcast %jit3A_67 : f32 to vector<8x64xf32>
      %select_n3A_71 = arith.select %eq3A_66, %broadcast_in_dim3A_69, %broadcast_in_dim3A_70 : vector<8x64xi1>, vector<8x64xf32>
      %add3A_72 = arith.addf %get3A_63, %select_n3A_71 : vector<8x64xf32>
      %eq3A_73 = arith.constant 4 : i32
      %eq3A_74 = vector.broadcast %eq3A_73 : i32 to vector<8x64xi32>
      %eq3A_75 = arith.cmpi eq, %iota3A_60, %eq3A_74 : vector<8x64xi32>
      %jit3A_76 = arith.constant 0.000000e+00 : f32
      %broadcast_in_dim3A_77 = vector.shape_cast %broadcast_in_dim3A_59 : vector<1x64xf32> to vector<1x64xf32>
      %broadcast_in_dim3A_78 = vector.broadcast %broadcast_in_dim3A_77 : vector<1x64xf32> to vector<8x64xf32>
      %broadcast_in_dim3A_79 = vector.broadcast %jit3A_76 : f32 to vector<8x64xf32>
      %select_n3A_80 = arith.select %eq3A_75, %broadcast_in_dim3A_78, %broadcast_in_dim3A_79 : vector<8x64xi1>, vector<8x64xf32>
      %add3A_81 = arith.addf %add3A_72, %select_n3A_80 : vector<8x64xf32>
      %swap3A = arith.constant 0 : index
      %swap3A_82 = arith.constant 0 : index
      %swap3A_83 = vector.load %arg18[%swap3A, %swap3A_82] : memref<8x64xf32, #tpu.memory_space<vmem>>, vector<8x64xf32>
      tpu.vector_store %arg18[%swap3A, %swap3A_82], %add3A_81 {strides = array<i32>} : memref<8x64xf32, #tpu.memory_space<vmem>>, vector<8x64xf32>,
    } else {
    }
    %eq3A_11 = arith.constant 1 : i32
    %eq3A_12 = arith.cmpi eq, %arg0, %eq3A_11 : i32
    %convert_element_type3A_13 = arith.extui %eq3A_12 : i1 to i32
    %cond3A_14 = arith.constant 0 : i32
    %cond3A_15 = arith.cmpi ne, %convert_element_type3A_13, %cond3A_14 : i32
    scf.if %cond3A_15 {
      %dma_wait3A = arith.constant 1 : i32
      %dma_wait3A_31 = tpu.memref_slice %arg19[%dma_wait3A] : memref<4x!tpu.dma_semaphore, #tpu.memory_space<semaphore_mem>> -> memref<1x!tpu.dma_semaphore, #tpu.memory_space<semaphore_mem>>
      %dma_wait3A_32 = tpu.memref_squeeze %dma_wait3A_31 : memref<1x!tpu.dma_semaphore, #tpu.memory_space<semaphore_mem>> -> memref<!tpu.dma_semaphore, #tpu.memory_space<semaphore_mem>>
      %dma_wait3A_33 = arith.constant 1000 : i32
      %dma_wait3A_34 = arith.constant 0 : i32
      %dma_wait3A_35 = tpu.memref_slice %arg1[%dma_wait3A_33, %dma_wait3A_34] : memref<4000x3128xf32, #tpu.memory_space<any>> -> memref<1000x1152xf32, #tpu.memory_space<any>>
      tpu.wait_dma2 semaphore(%dma_wait3A_32 : memref<!tpu.dma_semaphore, #tpu.memory_space<semaphore_mem>>) src(%dma_wait3A_35 : memref<1000x1152xf32, #tpu.memory_space<any>>) dst(%arg14 : memref<1000x1152xf32, #tpu.memory_space<vmem>>)
      %get3A = arith.constant 0 : index
      %get3A_36 = arith.constant 0 : index
      %get3A_37 = vector.load %arg14[%get3A, %get3A_36] : memref<1000x1152xf32, #tpu.memory_space<vmem>>, vector<1000x1152xf32>
      %get3A_38 = arith.constant 0 : index
      %get3A_39 = arith.constant 0 : index
      %get3A_40 = vector.load %arg17[%get3A_38, %get3A_39] : memref<3128x64xf32, #tpu.memory_space<vmem>>, vector<1152x64xf32>
      %dot_general3A = arith.constant dense<0.000000e+00> : vector<1000x64xf32>
      %dot_general3A_41 = tpu.matmul %get3A_37, %get3A_40, %dot_general3A {dimension_numbers = #tpu.dot_dimension_numbers<[1], [0], [0], [1], [0, 0, 1, 1], [], []>, transpose_lhs_hint = false} : vector<1000x1152xf32>, vector<1152x64xf32>, vector<1000x64xf32> -> vector<1000x64xf32>
      %get3A_42 = arith.constant 0 : index
      %get3A_43 = arith.constant 1000 : index
      %get3A_44 = vector.load %arg2[%get3A_42, %get3A_43] : memref<64x4000xf32, #tpu.memory_space<vmem>>, vector<64x1000xf32>
      %transpose3A = tpu.transpose %get3A_44, [1, 0] : vector<64x1000xf32> -> vector<1000x64xf32>
      %get3A_45 = arith.constant 0 : index
      %get3A_46 = arith.constant 1000 : index
      %get3A_47 = vector.load %arg3[%get3A_45, %get3A_46] : memref<1x4000xf32, #tpu.memory_space<vmem>>, vector<1x1000xf32>
      %transpose3A_48 = tpu.transpose %get3A_47, [1, 0] : vector<1x1000xf32> -> vector<1000x1xf32>
      %add3A = vector.broadcast %transpose3A_48 : vector<1000x1xf32> to vector<1000x64xf32>
      %add3A_49 = arith.addf %dot_general3A_41, %add3A : vector<1000x64xf32>
      %exp3A = math.exp %add3A_49 : vector<1000x64xf32>
      %mul3A = arith.mulf %exp3A, %transpose3A : vector<1000x64xf32>
      %get3A_50 = arith.constant 1 : index
      %get3A_51 = arith.constant 0 : index
      %get3A_52 = vector.load %arg4[%get3A_50, %get3A_51] : memref<4x64xi32, #tpu.memory_space<vmem>>, vector<1x64xi32>
      %iota3A = tpu.iota {dimensions = array<i32: 0>} : vector<1000x64xi32>
      %eq3A_53 = vector.broadcast %get3A_52 : vector<1x64xi32> to vector<1000x64xi32>
      %eq3A_54 = arith.cmpi eq, %iota3A, %eq3A_53 : vector<1000x64xi32>
      %reduce_sum3A = arith.constant dense<0.000000e+00> : vector<64xf32>
      %reduce_sum3A_55 = vector.multi_reduction <add>, %mul3A, %reduce_sum3A [0] : vector<1000x64xf32> to vector<64xf32>
      %broadcast_in_dim3A = vector.shape_cast %reduce_sum3A_55 : vector<64xf32> to vector<1x64xf32>
      %jit3A = arith.constant 0.000000e+00 : f32
      %broadcast_in_dim3A_56 = vector.broadcast %jit3A : f32 to vector<1000x64xf32>
      %select_n3A = arith.select %eq3A_54, %mul3A, %broadcast_in_dim3A_56 : vector<1000x64xi1>, vector<1000x64xf32>
      %reduce_sum3A_57 = arith.constant dense<0.000000e+00> : vector<64xf32>
      %reduce_sum3A_58 = vector.multi_reduction <add>, %select_n3A, %reduce_sum3A_57 [0] : vector<1000x64xf32> to vector<64xf32>
      %broadcast_in_dim3A_59 = vector.shape_cast %reduce_sum3A_58 : vector<64xf32> to vector<1x64xf32>
      %iota3A_60 = tpu.iota {dimensions = array<i32: 0>} : vector<8x64xi32>
      %get3A_61 = arith.constant 0 : index
      %get3A_62 = arith.constant 0 : index
      %get3A_63 = vector.load %arg18[%get3A_61, %get3A_62] : memref<8x64xf32, #tpu.memory_space<vmem>>, vector<8x64xf32>
      %eq3A_64 = arith.constant 1 : i32
      %eq3A_65 = vector.broadcast %eq3A_64 : i32 to vector<8x64xi32>
      %eq3A_66 = arith.cmpi eq, %iota3A_60, %eq3A_65 : vector<8x64xi32>
      %jit3A_67 = arith.constant 0.000000e+00 : f32
      %broadcast_in_dim3A_68 = vector.shape_cast %broadcast_in_dim3A : vector<1x64xf32> to vector<1x64xf32>
      %broadcast_in_dim3A_69 = vector.broadcast %broadcast_in_dim3A_68 : vector<1x64xf32> to vector<8x64xf32>
      %broadcast_in_dim3A_70 = vector.broadcast %jit3A_67 : f32 to vector<8x64xf32>
      %select_n3A_71 = arith.select %eq3A_66, %broadcast_in_dim3A_69, %broadcast_in_dim3A_70 : vector<8x64xi1>, vector<8x64xf32>
      %add3A_72 = arith.addf %get3A_63, %select_n3A_71 : vector<8x64xf32>
      %eq3A_73 = arith.constant 5 : i32
      %eq3A_74 = vector.broadcast %eq3A_73 : i32 to vector<8x64xi32>
      %eq3A_75 = arith.cmpi eq, %iota3A_60, %eq3A_74 : vector<8x64xi32>
      %jit3A_76 = arith.constant 0.000000e+00 : f32
      %broadcast_in_dim3A_77 = vector.shape_cast %broadcast_in_dim3A_59 : vector<1x64xf32> to vector<1x64xf32>
      %broadcast_in_dim3A_78 = vector.broadcast %broadcast_in_dim3A_77 : vector<1x64xf32> to vector<8x64xf32>
      %broadcast_in_dim3A_79 = vector.broadcast %jit3A_76 : f32 to vector<8x64xf32>
      %select_n3A_80 = arith.select %eq3A_75, %broadcast_in_dim3A_78, %broadcast_in_dim3A_79 : vector<8x64xi1>, vector<8x64xf32>
      %add3A_81 = arith.addf %add3A_72, %select_n3A_80 : vector<8x64xf32>
      %swap3A = arith.constant 0 : index
      %swap3A_82 = arith.constant 0 : index
      %swap3A_83 = vector.load %arg18[%swap3A, %swap3A_82] : memref<8x64xf32, #tpu.memory_space<vmem>>, vector<8x64xf32>
      tpu.vector_store %arg18[%swap3A, %swap3A_82], %add3A_81 {strides = array<i32>} : memref<8x64xf32, #tpu.memory_space<vmem>>, vector<8x64xf32>,
    } else {
    }
    %eq3A_16 = arith.constant 2 : i32
    %eq3A_17 = arith.cmpi eq, %arg0, %eq3A_16 : i32
    %convert_element_type3A_18 = arith.extui %eq3A_17 : i1 to i32
    %cond3A_19 = arith.constant 0 : i32
    %cond3A_20 = arith.cmpi ne, %convert_element_type3A_18, %cond3A_19 : i32
    scf.if %cond3A_20 {
      %dma_wait3A = arith.constant 2 : i32
      %dma_wait3A_31 = tpu.memref_slice %arg19[%dma_wait3A] : memref<4x!tpu.dma_semaphore, #tpu.memory_space<semaphore_mem>> -> memref<1x!tpu.dma_semaphore, #tpu.memory_space<semaphore_mem>>
      %dma_wait3A_32 = tpu.memref_squeeze %dma_wait3A_31 : memref<1x!tpu.dma_semaphore, #tpu.memory_space<semaphore_mem>> -> memref<!tpu.dma_semaphore, #tpu.memory_space<semaphore_mem>>
      %dma_wait3A_33 = arith.constant 2000 : i32
      %dma_wait3A_34 = arith.constant 0 : i32
      %dma_wait3A_35 = tpu.memref_slice %arg1[%dma_wait3A_33, %dma_wait3A_34] : memref<4000x3128xf32, #tpu.memory_space<any>> -> memref<1000x2176xf32, #tpu.memory_space<any>>
      tpu.wait_dma2 semaphore(%dma_wait3A_32 : memref<!tpu.dma_semaphore, #tpu.memory_space<semaphore_mem>>) src(%dma_wait3A_35 : memref<1000x2176xf32, #tpu.memory_space<any>>) dst(%arg15 : memref<1000x2176xf32, #tpu.memory_space<vmem>>)
      %get3A = arith.constant 0 : index
      %get3A_36 = arith.constant 0 : index
      %get3A_37 = vector.load %arg15[%get3A, %get3A_36] : memref<1000x2176xf32, #tpu.memory_space<vmem>>, vector<1000x2176xf32>
      %get3A_38 = arith.constant 0 : index
      %get3A_39 = arith.constant 0 : index
      %get3A_40 = vector.load %arg17[%get3A_38, %get3A_39] : memref<3128x64xf32, #tpu.memory_space<vmem>>, vector<2176x64xf32>
      %dot_general3A = arith.constant dense<0.000000e+00> : vector<1000x64xf32>
      %dot_general3A_41 = tpu.matmul %get3A_37, %get3A_40, %dot_general3A {dimension_numbers = #tpu.dot_dimension_numbers<[1], [0], [0], [1], [0, 0, 1, 1], [], []>, transpose_lhs_hint = false} : vector<1000x2176xf32>, vector<2176x64xf32>, vector<1000x64xf32> -> vector<1000x64xf32>
      %get3A_42 = arith.constant 0 : index
      %get3A_43 = arith.constant 2000 : index
      %get3A_44 = vector.load %arg2[%get3A_42, %get3A_43] : memref<64x4000xf32, #tpu.memory_space<vmem>>, vector<64x1000xf32>
      %transpose3A = tpu.transpose %get3A_44, [1, 0] : vector<64x1000xf32> -> vector<1000x64xf32>
      %get3A_45 = arith.constant 0 : index
      %get3A_46 = arith.constant 2000 : index
      %get3A_47 = vector.load %arg3[%get3A_45, %get3A_46] : memref<1x4000xf32, #tpu.memory_space<vmem>>, vector<1x1000xf32>
      %transpose3A_48 = tpu.transpose %get3A_47, [1, 0] : vector<1x1000xf32> -> vector<1000x1xf32>
      %add3A = vector.broadcast %transpose3A_48 : vector<1000x1xf32> to vector<1000x64xf32>
      %add3A_49 = arith.addf %dot_general3A_41, %add3A : vector<1000x64xf32>
      %exp3A = math.exp %add3A_49 : vector<1000x64xf32>
      %mul3A = arith.mulf %exp3A, %transpose3A : vector<1000x64xf32>
      %get3A_50 = arith.constant 2 : index
      %get3A_51 = arith.constant 0 : index
      %get3A_52 = vector.load %arg4[%get3A_50, %get3A_51] : memref<4x64xi32, #tpu.memory_space<vmem>>, vector<1x64xi32>
      %iota3A = tpu.iota {dimensions = array<i32: 0>} : vector<1000x64xi32>
      %eq3A_53 = vector.broadcast %get3A_52 : vector<1x64xi32> to vector<1000x64xi32>
      %eq3A_54 = arith.cmpi eq, %iota3A, %eq3A_53 : vector<1000x64xi32>
      %reduce_sum3A = arith.constant dense<0.000000e+00> : vector<64xf32>
      %reduce_sum3A_55 = vector.multi_reduction <add>, %mul3A, %reduce_sum3A [0] : vector<1000x64xf32> to vector<64xf32>
      %broadcast_in_dim3A = vector.shape_cast %reduce_sum3A_55 : vector<64xf32> to vector<1x64xf32>
      %jit3A = arith.constant 0.000000e+00 : f32
      %broadcast_in_dim3A_56 = vector.broadcast %jit3A : f32 to vector<1000x64xf32>
      %select_n3A = arith.select %eq3A_54, %mul3A, %broadcast_in_dim3A_56 : vector<1000x64xi1>, vector<1000x64xf32>
      %reduce_sum3A_57 = arith.constant dense<0.000000e+00> : vector<64xf32>
      %reduce_sum3A_58 = vector.multi_reduction <add>, %select_n3A, %reduce_sum3A_57 [0] : vector<1000x64xf32> to vector<64xf32>
      %broadcast_in_dim3A_59 = vector.shape_cast %reduce_sum3A_58 : vector<64xf32> to vector<1x64xf32>
      %iota3A_60 = tpu.iota {dimensions = array<i32: 0>} : vector<8x64xi32>
      %get3A_61 = arith.constant 0 : index
      %get3A_62 = arith.constant 0 : index
      %get3A_63 = vector.load %arg18[%get3A_61, %get3A_62] : memref<8x64xf32, #tpu.memory_space<vmem>>, vector<8x64xf32>
      %eq3A_64 = arith.constant 2 : i32
      %eq3A_65 = vector.broadcast %eq3A_64 : i32 to vector<8x64xi32>
      %eq3A_66 = arith.cmpi eq, %iota3A_60, %eq3A_65 : vector<8x64xi32>
      %jit3A_67 = arith.constant 0.000000e+00 : f32
      %broadcast_in_dim3A_68 = vector.shape_cast %broadcast_in_dim3A : vector<1x64xf32> to vector<1x64xf32>
      %broadcast_in_dim3A_69 = vector.broadcast %broadcast_in_dim3A_68 : vector<1x64xf32> to vector<8x64xf32>
      %broadcast_in_dim3A_70 = vector.broadcast %jit3A_67 : f32 to vector<8x64xf32>
      %select_n3A_71 = arith.select %eq3A_66, %broadcast_in_dim3A_69, %broadcast_in_dim3A_70 : vector<8x64xi1>, vector<8x64xf32>
      %add3A_72 = arith.addf %get3A_63, %select_n3A_71 : vector<8x64xf32>
      %eq3A_73 = arith.constant 6 : i32
      %eq3A_74 = vector.broadcast %eq3A_73 : i32 to vector<8x64xi32>
      %eq3A_75 = arith.cmpi eq, %iota3A_60, %eq3A_74 : vector<8x64xi32>
      %jit3A_76 = arith.constant 0.000000e+00 : f32
      %broadcast_in_dim3A_77 = vector.shape_cast %broadcast_in_dim3A_59 : vector<1x64xf32> to vector<1x64xf32>
      %broadcast_in_dim3A_78 = vector.broadcast %broadcast_in_dim3A_77 : vector<1x64xf32> to vector<8x64xf32>
      %broadcast_in_dim3A_79 = vector.broadcast %jit3A_76 : f32 to vector<8x64xf32>
      %select_n3A_80 = arith.select %eq3A_75, %broadcast_in_dim3A_78, %broadcast_in_dim3A_79 : vector<8x64xi1>, vector<8x64xf32>
      %add3A_81 = arith.addf %add3A_72, %select_n3A_80 : vector<8x64xf32>
      %swap3A = arith.constant 0 : index
      %swap3A_82 = arith.constant 0 : index
      %swap3A_83 = vector.load %arg18[%swap3A, %swap3A_82] : memref<8x64xf32, #tpu.memory_space<vmem>>, vector<8x64xf32>
      tpu.vector_store %arg18[%swap3A, %swap3A_82], %add3A_81 {strides = array<i32>} : memref<8x64xf32, #tpu.memory_space<vmem>>, vector<8x64xf32>,
    } else {
    }
    %eq3A_21 = arith.constant 3 : i32
    %eq3A_22 = arith.cmpi eq, %arg0, %eq3A_21 : i32
    %convert_element_type3A_23 = arith.extui %eq3A_22 : i1 to i32
    %cond3A_24 = arith.constant 0 : i32
    %cond3A_25 = arith.cmpi ne, %convert_element_type3A_23, %cond3A_24 : i32
    scf.if %cond3A_25 {
      %dma_wait3A = arith.constant 3 : i32
      %dma_wait3A_31 = tpu.memref_slice %arg19[%dma_wait3A] : memref<4x!tpu.dma_semaphore, #tpu.memory_space<semaphore_mem>> -> memref<1x!tpu.dma_semaphore, #tpu.memory_space<semaphore_mem>>
      %dma_wait3A_32 = tpu.memref_squeeze %dma_wait3A_31 : memref<1x!tpu.dma_semaphore, #tpu.memory_space<semaphore_mem>> -> memref<!tpu.dma_semaphore, #tpu.memory_space<semaphore_mem>>
      %dma_wait3A_33 = arith.constant 3000 : i32
      %dma_wait3A_34 = arith.constant 0 : i32
      %dma_wait3A_35 = tpu.memref_slice %arg1[%dma_wait3A_33, %dma_wait3A_34] : memref<4000x3128xf32, #tpu.memory_space<any>> -> memref<1000x3128xf32, #tpu.memory_space<any>>
      tpu.wait_dma2 semaphore(%dma_wait3A_32 : memref<!tpu.dma_semaphore, #tpu.memory_space<semaphore_mem>>) src(%dma_wait3A_35 : memref<1000x3128xf32, #tpu.memory_space<any>>) dst(%arg16 : memref<1000x3128xf32, #tpu.memory_space<vmem>>)
      %get3A = arith.constant 0 : index
      %get3A_36 = arith.constant 0 : index
      %get3A_37 = vector.load %arg16[%get3A, %get3A_36] : memref<1000x3128xf32, #tpu.memory_space<vmem>>, vector<1000x3128xf32>
      %get3A_38 = arith.constant 0 : index
      %get3A_39 = arith.constant 0 : index
      %get3A_40 = vector.load %arg17[%get3A_38, %get3A_39] : memref<3128x64xf32, #tpu.memory_space<vmem>>, vector<3128x64xf32>
      %dot_general3A = arith.constant dense<0.000000e+00> : vector<1000x64xf32>
      %dot_general3A_41 = tpu.matmul %get3A_37, %get3A_40, %dot_general3A {dimension_numbers = #tpu.dot_dimension_numbers<[1], [0], [0], [1], [0, 0, 1, 1], [], []>, transpose_lhs_hint = false} : vector<1000x3128xf32>, vector<3128x64xf32>, vector<1000x64xf32> -> vector<1000x64xf32>
      %get3A_42 = arith.constant 0 : index
      %get3A_43 = arith.constant 3000 : index
      %get3A_44 = vector.load %arg2[%get3A_42, %get3A_43] : memref<64x4000xf32, #tpu.memory_space<vmem>>, vector<64x1000xf32>
      %transpose3A = tpu.transpose %get3A_44, [1, 0] : vector<64x1000xf32> -> vector<1000x64xf32>
      %get3A_45 = arith.constant 0 : index
      %get3A_46 = arith.constant 3000 : index
      %get3A_47 = vector.load %arg3[%get3A_45, %get3A_46] : memref<1x4000xf32, #tpu.memory_space<vmem>>, vector<1x1000xf32>
      %transpose3A_48 = tpu.transpose %get3A_47, [1, 0] : vector<1x1000xf32> -> vector<1000x1xf32>
      %add3A = vector.broadcast %transpose3A_48 : vector<1000x1xf32> to vector<1000x64xf32>
      %add3A_49 = arith.addf %dot_general3A_41, %add3A : vector<1000x64xf32>
      %exp3A = math.exp %add3A_49 : vector<1000x64xf32>
      %mul3A = arith.mulf %exp3A, %transpose3A : vector<1000x64xf32>
      %get3A_50 = arith.constant 3 : index
      %get3A_51 = arith.constant 0 : index
      %get3A_52 = vector.load %arg4[%get3A_50, %get3A_51] : memref<4x64xi32, #tpu.memory_space<vmem>>, vector<1x64xi32>
      %iota3A = tpu.iota {dimensions = array<i32: 0>} : vector<1000x64xi32>
      %eq3A_53 = vector.broadcast %get3A_52 : vector<1x64xi32> to vector<1000x64xi32>
      %eq3A_54 = arith.cmpi eq, %iota3A, %eq3A_53 : vector<1000x64xi32>
      %reduce_sum3A = arith.constant dense<0.000000e+00> : vector<64xf32>
      %reduce_sum3A_55 = vector.multi_reduction <add>, %mul3A, %reduce_sum3A [0] : vector<1000x64xf32> to vector<64xf32>
      %broadcast_in_dim3A = vector.shape_cast %reduce_sum3A_55 : vector<64xf32> to vector<1x64xf32>
      %jit3A = arith.constant 0.000000e+00 : f32
      %broadcast_in_dim3A_56 = vector.broadcast %jit3A : f32 to vector<1000x64xf32>
      %select_n3A = arith.select %eq3A_54, %mul3A, %broadcast_in_dim3A_56 : vector<1000x64xi1>, vector<1000x64xf32>
      %reduce_sum3A_57 = arith.constant dense<0.000000e+00> : vector<64xf32>
      %reduce_sum3A_58 = vector.multi_reduction <add>, %select_n3A, %reduce_sum3A_57 [0] : vector<1000x64xf32> to vector<64xf32>
      %broadcast_in_dim3A_59 = vector.shape_cast %reduce_sum3A_58 : vector<64xf32> to vector<1x64xf32>
      %iota3A_60 = tpu.iota {dimensions = array<i32: 0>} : vector<8x64xi32>
      %get3A_61 = arith.constant 0 : index
      %get3A_62 = arith.constant 0 : index
      %get3A_63 = vector.load %arg18[%get3A_61, %get3A_62] : memref<8x64xf32, #tpu.memory_space<vmem>>, vector<8x64xf32>
      %eq3A_64 = arith.constant 3 : i32
      %eq3A_65 = vector.broadcast %eq3A_64 : i32 to vector<8x64xi32>
      %eq3A_66 = arith.cmpi eq, %iota3A_60, %eq3A_65 : vector<8x64xi32>
      %jit3A_67 = arith.constant 0.000000e+00 : f32
      %broadcast_in_dim3A_68 = vector.shape_cast %broadcast_in_dim3A : vector<1x64xf32> to vector<1x64xf32>
      %broadcast_in_dim3A_69 = vector.broadcast %broadcast_in_dim3A_68 : vector<1x64xf32> to vector<8x64xf32>
      %broadcast_in_dim3A_70 = vector.broadcast %jit3A_67 : f32 to vector<8x64xf32>
      %select_n3A_71 = arith.select %eq3A_66, %broadcast_in_dim3A_69, %broadcast_in_dim3A_70 : vector<8x64xi1>, vector<8x64xf32>
      %add3A_72 = arith.addf %get3A_63, %select_n3A_71 : vector<8x64xf32>
      %eq3A_73 = arith.constant 7 : i32
      %eq3A_74 = vector.broadcast %eq3A_73 : i32 to vector<8x64xi32>
      %eq3A_75 = arith.cmpi eq, %iota3A_60, %eq3A_74 : vector<8x64xi32>
      %jit3A_76 = arith.constant 0.000000e+00 : f32
      %broadcast_in_dim3A_77 = vector.shape_cast %broadcast_in_dim3A_59 : vector<1x64xf32> to vector<1x64xf32>
      %broadcast_in_dim3A_78 = vector.broadcast %broadcast_in_dim3A_77 : vector<1x64xf32> to vector<8x64xf32>
      %broadcast_in_dim3A_79 = vector.broadcast %jit3A_76 : f32 to vector<8x64xf32>
      %select_n3A_80 = arith.select %eq3A_75, %broadcast_in_dim3A_78, %broadcast_in_dim3A_79 : vector<8x64xi1>, vector<8x64xf32>
      %add3A_81 = arith.addf %add3A_72, %select_n3A_80 : vector<8x64xf32>
      %swap3A = arith.constant 0 : index
      %swap3A_82 = arith.constant 0 : index
      %swap3A_83 = vector.load %arg18[%swap3A, %swap3A_82] : memref<8x64xf32, #tpu.memory_space<vmem>>, vector<8x64xf32>
      tpu.vector_store %arg18[%swap3A, %swap3A_82], %add3A_81 {strides = array<i32>} : memref<8x64xf32, #tpu.memory_space<vmem>>, vector<8x64xf32>,
    } else {
    }
    %eq3A_26 = arith.constant 3 : i32
    %eq3A_27 = arith.cmpi eq, %arg0, %eq3A_26 : i32
    %convert_element_type3A_28 = arith.extui %eq3A_27 : i1 to i32
    %cond3A_29 = arith.constant 0 : i32
    %cond3A_30 = arith.cmpi ne, %convert_element_type3A_28, %cond3A_29 : i32
    scf.if %cond3A_30 {
      %get3A = arith.constant 0 : index
      %get3A_31 = arith.constant 0 : index
      %get3A_32 = vector.load %arg18[%get3A, %get3A_31] : memref<8x64xf32, #tpu.memory_space<vmem>>, vector<8x64xf32>
      %slice3A = vector.extract_strided_slice %get3A_32 {offsets = [4, 0], sizes = [4, 64], strides = [1, 1]} : vector<8x64xf32> to vector<4x64xf32>
      %log3A = math.log %slice3A : vector<4x64xf32>
      %slice3A_33 = vector.extract_strided_slice %get3A_32 {offsets = [0, 0], sizes = [4, 64], strides = [1, 1]} : vector<8x64xf32> to vector<4x64xf32>
      %log3A_34 = math.log %slice3A_33 : vector<4x64xf32>
      %sub3A = arith.subf %log3A, %log3A_34 : vector<4x64xf32>
      %reduce_sum3A = arith.constant dense<0.000000e+00> : vector<64xf32>
      %reduce_sum3A_35 = vector.multi_reduction <add>, %sub3A, %reduce_sum3A [0] : vector<4x64xf32> to vector<64xf32>
      %broadcast_in_dim3A = vector.shape_cast %reduce_sum3A_35 : vector<64xf32> to vector<1x64xf32>
      %get3A_36 = arith.constant 0 : index
      %get3A_37 = arith.constant 0 : index
      %get3A_38 = vector.load %arg5[%get3A_36, %get3A_37] : memref<64x128xf32, #tpu.memory_space<vmem>>, vector<64x128xf32>
      %get3A_39 = arith.constant 0 : index
      %get3A_40 = arith.constant 0 : index
      %get3A_41 = arith.constant 0 : index
      %get3A_42 = vector.load %arg7[%get3A_39, %get3A_40, %get3A_41] : memref<4x64x256xf32, #tpu.memory_space<vmem>>, vector<1x64x256xf32>
      %get3A_43 = vector.shape_cast %get3A_42 : vector<1x64x256xf32> to vector<64x256xf32>
      %get3A_44 = arith.constant 1 : index
      %get3A_45 = arith.constant 0 : index
      %get3A_46 = arith.constant 0 : index
      %get3A_47 = vector.load %arg7[%get3A_44, %get3A_45, %get3A_46] : memref<4x64x256xf32, #tpu.memory_space<vmem>>, vector<1x64x256xf32>
      %get3A_48 = vector.shape_cast %get3A_47 : vector<1x64x256xf32> to vector<64x256xf32>
      %add3A = arith.addf %get3A_43, %get3A_48 : vector<64x256xf32>
      %get3A_49 = arith.constant 2 : index
      %get3A_50 = arith.constant 0 : index
      %get3A_51 = arith.constant 0 : index
      %get3A_52 = vector.load %arg7[%get3A_49, %get3A_50, %get3A_51] : memref<4x64x256xf32, #tpu.memory_space<vmem>>, vector<1x64x256xf32>
      %get3A_53 = vector.shape_cast %get3A_52 : vector<1x64x256xf32> to vector<64x256xf32>
      %add3A_54 = arith.addf %add3A, %get3A_53 : vector<64x256xf32>
      %get3A_55 = arith.constant 3 : index
      %get3A_56 = arith.constant 0 : index
      %get3A_57 = arith.constant 0 : index
      %get3A_58 = vector.load %arg7[%get3A_55, %get3A_56, %get3A_57] : memref<4x64x256xf32, #tpu.memory_space<vmem>>, vector<1x64x256xf32>
      %get3A_59 = vector.shape_cast %get3A_58 : vector<1x64x256xf32> to vector<64x256xf32>
      %add3A_60 = arith.addf %add3A_54, %get3A_59 : vector<64x256xf32>
      %get3A_61 = arith.constant 0 : index
      %get3A_62 = arith.constant 0 : index
      %get3A_63 = vector.load %arg8[%get3A_61, %get3A_62] : memref<128x256xf32, #tpu.memory_space<vmem>>, vector<128x256xf32>
      %dot_general3A = arith.constant dense<0.000000e+00> : vector<64x256xf32>
      %dot_general3A_64 = tpu.matmul %get3A_38, %get3A_63, %dot_general3A {dimension_numbers = #tpu.dot_dimension_numbers<[1], [0], [0], [1], [0, 0, 1, 1], [], []>, transpose_lhs_hint = false} : vector<64x128xf32>, vector<128x256xf32>, vector<64x256xf32> -> vector<64x256xf32>
      %get3A_65 = arith.constant 0 : index
      %get3A_66 = arith.constant 0 : index
      %get3A_67 = vector.load %arg9[%get3A_65, %get3A_66] : memref<1x256xf32, #tpu.memory_space<vmem>>, vector<1x256xf32>
      %add3A_68 = vector.broadcast %get3A_67 : vector<1x256xf32> to vector<64x256xf32>
      %add3A_69 = arith.addf %dot_general3A_64, %add3A_68 : vector<64x256xf32>
      %add3A_70 = arith.addf %add3A_69, %add3A_60 : vector<64x256xf32>
      %tanh3A = math.tanh %add3A_70 : vector<64x256xf32>
      %get3A_71 = arith.constant 0 : index
      %get3A_72 = arith.constant 0 : index
      %get3A_73 = vector.load %arg10[%get3A_71, %get3A_72] : memref<256x128xf32, #tpu.memory_space<vmem>>, vector<256x128xf32>
      %dot_general3A_74 = arith.constant dense<0.000000e+00> : vector<64x128xf32>
      %dot_general3A_75 = tpu.matmul %tanh3A, %get3A_73, %dot_general3A_74 {dimension_numbers = #tpu.dot_dimension_numbers<[1], [0], [0], [1], [0, 0, 1, 1], [], []>, transpose_lhs_hint = false} : vector<64x256xf32>, vector<256x128xf32>, vector<64x128xf32> -> vector<64x128xf32>
      %get3A_76 = arith.constant 0 : index
      %get3A_77 = arith.constant 0 : index
      %get3A_78 = vector.load %arg11[%get3A_76, %get3A_77] : memref<1x128xf32, #tpu.memory_space<vmem>>, vector<1x128xf32>
      %add3A_79 = vector.broadcast %get3A_78 : vector<1x128xf32> to vector<64x128xf32>
      %add3A_80 = arith.addf %dot_general3A_75, %add3A_79 : vector<64x128xf32>
      %slice3A_81 = vector.extract_strided_slice %add3A_80 {offsets = [0, 0], sizes = [64, 64], strides = [1, 1]} : vector<64x128xf32> to vector<64x64xf32>
      %slice3A_82 = vector.extract_strided_slice %add3A_80 {offsets = [0, 64], sizes = [64, 64], strides = [1, 1]} : vector<64x128xf32> to vector<64x64xf32>
      %get3A_83 = arith.constant 0 : index
      %get3A_84 = arith.constant 0 : index
      %get3A_85 = vector.load %arg6[%get3A_83, %get3A_84] : memref<64x64xf32, #tpu.memory_space<vmem>>, vector<64x64xf32>
      %sub3A_86 = arith.subf %get3A_85, %slice3A_81 : vector<64x64xf32>
      %neg3A = arith.constant 0.000000e+00 : f32
      %neg3A_87 = vector.broadcast %neg3A : f32 to vector<64x64xf32>
      %neg3A_88 = arith.subf %neg3A_87, %slice3A_82 : vector<64x64xf32>
      %exp3A = math.exp %neg3A_88 : vector<64x64xf32>
      %mul3A = arith.mulf %sub3A_86, %exp3A : vector<64x64xf32>
      %mul3A_89 = arith.constant -5.000000e-01 : f32
      %mul3A_90 = vector.broadcast %mul3A_89 : f32 to vector<64x64xf32>
      %mul3A_91 = arith.mulf %mul3A_90, %mul3A : vector<64x64xf32>
      %mul3A_92 = arith.mulf %mul3A_91, %mul3A : vector<64x64xf32>
      %sub3A_93 = arith.subf %mul3A_92, %slice3A_82 : vector<64x64xf32>
      %sub3A_94 = arith.constant 0.918938517 : f32
      %sub3A_95 = vector.broadcast %sub3A_94 : f32 to vector<64x64xf32>
      %sub3A_96 = arith.subf %sub3A_93, %sub3A_95 : vector<64x64xf32>
      %reduce_sum3A_97 = arith.constant dense<0.000000e+00> : vector<64xf32>
      %reduce_sum3A_98 = vector.multi_reduction <add>, %sub3A_96, %reduce_sum3A_97 [1] : vector<64x64xf32> to vector<64xf32>
      %broadcast_in_dim3A_99 = vector.shape_cast %reduce_sum3A_98 : vector<64xf32> to vector<64x1xf32>
      %reshape3A = vector.shape_cast %broadcast_in_dim3A_99 : vector<64x1xf32> to vector<1x64xf32>
      %add3A_100 = arith.addf %broadcast_in_dim3A, %reshape3A : vector<1x64xf32>
      %swap3A = arith.constant 0 : index
      %swap3A_101 = arith.constant 0 : index
      %swap3A_102 = vector.load %arg12[%swap3A, %swap3A_101] : memref<1x64xf32, #tpu.memory_space<vmem>>, vector<1x64xf32>
      tpu.vector_store %arg12[%swap3A, %swap3A_101], %add3A_100 {strides = array<i32>} : memref<1x64xf32, #tpu.memory_space<vmem>>, vector<1x64xf32>,
    } else {
    }
    return
  }
  func.func @transform_1(%arg0: i32) -> (i32, i32) {
    %c0_i32 = arith.constant 0 : i32
    %c0_i32_0 = arith.constant 0 : i32
    %c0_i32_1 = arith.constant 0 : i32
    return %c0_i32, %c0_i32_0 : i32, i32
  }
  func.func @transform_2(%arg0: i32) -> (i32, i32) {
    %c0_i32 = arith.constant 0 : i32
    %c0_i32_0 = arith.constant 0 : i32
    %c0_i32_1 = arith.constant 0 : i32
    return %c0_i32, %c0_i32_0 : i32, i32
  }
  func.func @transform_3(%arg0: i32) -> (i32, i32) {
    %c0_i32 = arith.constant 0 : i32
    %c0_i32_0 = arith.constant 0 : i32
    %c0_i32_1 = arith.constant 0 : i32
    return %c0_i32, %c0_i32_0 : i32, i32
  }
  func.func @transform_4(%arg0: i32) -> (i32, i32) {
    %c0_i32 = arith.constant 0 : i32
    %c0_i32_0 = arith.constant 0 : i32
    %c0_i32_1 = arith.constant 0 : i32
    return %c0_i32, %c0_i32_0 : i32, i32
  }
  func.func @transform_5(%arg0: i32) -> (i32, i32) {
    %c0_i32 = arith.constant 0 : i32
    %c0_i32_0 = arith.constant 0 : i32
    %c0_i32_1 = arith.constant 0 : i32
    return %c0_i32, %c0_i32_0 : i32, i32
  }
  func.func @transform_6(%arg0: i32) -> (i32, i32, i32) {
    %c0_i32 = arith.constant 0 : i32
    %c0_i32_0 = arith.constant 0 : i32
    %c0_i32_1 = arith.constant 0 : i32
    %c0_i32_2 = arith.constant 0 : i32
    return %c0_i32, %c0_i32_0, %c0_i32_1 : i32, i32, i32
  }
  func.func @transform_7(%arg0: i32) -> (i32, i32) {
    %c0_i32 = arith.constant 0 : i32
    %c0_i32_0 = arith.constant 0 : i32
    %c0_i32_1 = arith.constant 0 : i32
    return %c0_i32, %c0_i32_0 : i32, i32
  }
  func.func @transform_8(%arg0: i32) -> (i32, i32) {
    %c0_i32 = arith.constant 0 : i32
    %c0_i32_0 = arith.constant 0 : i32
    %c0_i32_1 = arith.constant 0 : i32
    return %c0_i32, %c0_i32_0 : i32, i32
  }
  func.func @transform_9(%arg0: i32) -> (i32, i32) {
    %c0_i32 = arith.constant 0 : i32
    %c0_i32_0 = arith.constant 0 : i32
    %c0_i32_1 = arith.constant 0 : i32
    return %c0_i32, %c0_i32_0 : i32, i32
  }
  func.func @transform_10(%arg0: i32) -> (i32, i32) {
    %c0_i32 = arith.constant 0 : i32
    %c0_i32_0 = arith.constant 0 : i32
    %c0_i32_1 = arith.constant 0 : i32
    return %c0_i32, %c0_i32_0 : i32, i32
  }
  func.func @transform_11(%arg0: i32) -> (i32, i32) {
    %c0_i32 = arith.constant 0 : i32
    %c0_i32_0 = arith.constant 0 : i32
    %c0_i32_1 = arith.constant 0 : i32
    return %c0_i32, %c0_i32_0 : i32, i32
  }
}

</mosaic_0001>

<sc_bundles>
// kernel: kernel.4.cloned.1.call-start
scs
__scs_entry_jumppad:
0x0: {  	(pc) =	sbr.rel $0x88, $3  }
0x1: {  	(tag) =	ssettag $0x0;
	lr =	simm.s32 $0x1  }
0x2: {  	[smem:$0x3F97] =	sst lr;
	_ =	strace $0xD0000000  }
0x3: {  	_ = 	snop  }
0x4: {  	_ = 	snop  }
0x5: {  	_ = 	snop  }
0x6: {  	_ = 	snop  }
0x7: {  	_ = 	snop  }
__scs_overlays_trampoline_lowered:
0x8: {  	[smem:$0x3FA6] =	sst s0  }
0x9: {  	[smem:$0x3FA7] =	sst s1  }
0xa: {  	[smem:$0x3FA8] =	sst s2  }
0xb: {  	[smem:$0x3FA9] =	sst s3  }
0xc: {  	[smem:$0x3FAA] =	sst s4  }
0xd: {  	[smem:$0x3FAB] =	sst s5  }
0xe: {  	[smem:$0x3FAC] =	sst s6  }
0xf: {  	[smem:$0x3FAD] =	sst s7  }
0x10: {  	[smem:$0x3FAE] =	sst s8  }
0x11: {  	[smem:$0x3FAF] =	sst s9;
	s0 =	simm.s32 @!p0 $0x0  }
0x12: {  	s1 =	sld [smem:$0x3F95];
	s0 =	simm.s32 @p0 $0x1  }
0x13: {  	[smem:$0x3FB0] =	sst s0;
	s0 =	simm.s32 @!p1 $0x0  }
0x14: {  	s2 =	sld [smem:$0x3F94];
	s0 =	simm.s32 @p1 $0x1  }
0x15: {  	[smem:$0x3FB1] =	sst s0;
	s0 =	simm.s32 @!p2 $0x0  }
0x16: {  	s3 =	sld [smem:$0x3FDB];
	s0 =	simm.s32 @p2 $0x1  }
0x17: {  	s4 =	simm.s32 $0x1BF5;
	[smem:$0x3FB3] =	sst s0  }
0x18: {  	s0 =	sld [smem:$0x3F96];
	_ =	swait.ge [sflag:s4], $0x0  }
0x19: {  	s7 =	sld [smem:$0x3F97]  }
0x1a: {  	s8 =	sadd.s32 $0xFFFFE003, lr  }
0x1b: {  	s9 =	sadd.s32 $0xFFFFFEF7, lr;
	s5 =	simm.s32 $0xFFFFFFFF;
	p2 =	slt.u32 s8, $0xFFFFF086  }
0x1c: {  	p1 =	slt.u32 s9, $0xF7A;
	s5 =	simm.s32 @!p2 $0x0  }
0x1d: {  	s5 =	simm.s32 @p1 $0x1;
	p0 =	seq.s32 s7, s2  }
0x1e: {  	s7 =	smul.u32 @!p0 $0xF7A, s2;
	p2 =	seq.s32 @!p0 s5, $0x0  }
0x1f: {  	s9 =	smul.u32 $0xF7A, s1;
	s8 =	simm.s32 @!p0 $0x1BF5;
	p2 =	por !p2, p0  }
0x20: {  	[sflag:s8] =	ssyncset.s32 @!p0 $0xFFFFF086;
	s6 =	sadd.s32 @!p0 s3, s7;
	s7 =	simm.s32 @!p0 $0x108  }
0x21: {  	s3 =	sadd.s32 s3, s9;
	s6 =	sadd.s32 @!p0 $0x88, s6;
	s7 =	simm.s32 @p2 $0x1082  }
0x22: {  	[simem:s7], [sflag:s8] =	dma.local @!p0 [hbm:s6], $0xF7A  }
0x23: {  	s9 =	sor.u32 $0xD0000000, s2;
	s6 =	simm.s32 $0x108;
	_ =	swait.ge @!p0 [sflag:s8], $0x0  }
0x24: {  	s3 =	sadd.s32 $0x88, s3;
	s6 =	simm.s32 @!p1 $0x1082;
	[sflag:s4] =	ssyncset.s32 $0xFFFFF086  }
0x25: {  	[simem:s6], [sflag:s4] =	dma.local [hbm:s3], $0xF7A  }
0x26: {  	[smem:$0x3F97] =	sst s1;
	(tag) =	ssettag s2;
	_ =	strace s9  }
0x27: {  	s1 =	sld [smem:$0x3FA7]  }
0x28: {  	s2 =	sld [smem:$0x3FA8]  }
0x29: {  	s4 =	sld [smem:$0x3FAA]  }
0x2a: {  	p0 =	seq.s32 s5, $0x0;
	s5 =	sld [smem:$0x3FAB]  }
0x2b: {  	s6 =	sld [smem:$0x3FAC]  }
0x2c: {  	s7 =	sld [smem:$0x3FAD]  }
0x2d: {  	s3 =	simm.s32 $0x108;
	s8 =	sld [smem:$0x3FAE]  }
0x2e: {  	s3 =	simm.s32 @!p0 $0x1082;
	s9 =	sld [smem:$0x3FAF]  }
0x2f: {  	lr =	sadd.s32 s0, s3;
	s0 =	sld [smem:$0x3FA6]  }
0x30: {  	s3 =	sld [smem:$0x3FA9]  }
0x31: {  	[smem:$0x3FB2] =	sst s10  }
0x32: {  	s10 =	sld [smem:$0x3FB0];
	_ =	sdelay $0x3  }
0x33: {  	p0 =	seq.s32 s10, $0x1;
	s10 =	sld [smem:$0x3FB2];
	_ =	sdelay $0x3  }
0x34: {  	[smem:$0x3FB2] =	sst s10  }
0x35: {  	s10 =	sld [smem:$0x3FB1];
	_ =	sdelay $0x3  }
0x36: {  	p1 =	seq.s32 s10, $0x1;
	s10 =	sld [smem:$0x3FB2];
	_ =	sdelay $0x3  }
0x37: {  	[smem:$0x3FB2] =	sst s10  }
0x38: {  	s10 =	sld [smem:$0x3FB3]  }
0x39: {  	_ = 	snop;
	(pc) =	sbr.ind lr, $3  }
0x3a: {  	_ = 	snop  }
0x3b: {  	_ = 	snop  }
0x3c: {  	p2 =	seq.s32 s10, $0x1;
	s10 =	sld [smem:$0x3FB2]  }
0x3d: {  	_ =	shalt  }
0x3e: {  	_ =	shalt  }
0x3f: {  	_ =	shalt  }
0x40: {  	_ =	shalt  }
0x41: {  	_ =	shalt  }
0x42: {  	_ =	shalt  }
0x43: {  	_ =	shalt  }
0x44: {  	_ =	shalt  }
0x45: {  	_ =	shalt  }
0x46: {  	_ =	shalt  }
0x47: {  	_ =	shalt  }
0x48: {  	_ =	shalt  }
0x49: {  	_ =	shalt  }
0x4a: {  	_ =	shalt  }
0x4b: {  	_ =	shalt  }
0x4c: {  	_ =	shalt  }
0x4d: {  	_ =	shalt  }
0x4e: {  	_ =	shalt  }
0x4f: {  	_ =	shalt  }
0x50: {  	_ =	shalt  }
0x51: {  	_ =	shalt  }
0x52: {  	_ =	shalt  }
0x53: {  	_ =	shalt  }
0x54: {  	_ =	shalt  }
0x55: {  	_ =	shalt  }
0x56: {  	_ =	shalt  }
0x57: {  	_ =	shalt  }
0x58: {  	_ =	shalt  }
0x59: {  	_ =	shalt  }
0x5a: {  	_ =	shalt  }
0x5b: {  	_ =	shalt  }
0x5c: {  	_ =	shalt  }
0x5d: {  	_ =	shalt  }
0x5e: {  	_ =	shalt  }
0x5f: {  	_ =	shalt  }
0x60: {  	_ =	shalt  }
0x61: {  	_ =	shalt  }
0x62: {  	_ =	shalt  }
0x63: {  	_ =	shalt  }
0x64: {  	_ =	shalt  }
0x65: {  	_ =	shalt  }
0x66: {  	_ =	shalt  }
0x67: {  	_ =	shalt  }
0x68: {  	_ =	shalt  }
0x69: {  	_ =	shalt  }
0x6a: {  	_ =	shalt  }
0x6b: {  	_ =	shalt  }
0x6c: {  	_ =	shalt  }
0x6d: {  	_ =	shalt  }
0x6e: {  	_ =	shalt  }
0x6f: {  	_ =	shalt  }
0x70: {  	_ =	shalt  }
0x71: {  	_ =	shalt  }
0x72: {  	_ =	shalt  }
0x73: {  	_ =	shalt  }
0x74: {  	_ =	shalt  }
0x75: {  	_ =	shalt  }
0x76: {  	_ =	shalt  }
0x77: {  	_ =	shalt  }
0x78: {  	_ =	shalt  }
0x79: {  	_ =	shalt  }
0x7a: {  	_ =	shalt  }
0x7b: {  	_ =	shalt  }
0x7c: {  	_ =	shalt  }
0x7d: {  	_ =	shalt  }
0x7e: {  	_ =	shalt  }
0x7f: {  	_ =	shalt  }
0x80: {  	_ =	shalt  }
0x81: {  	_ =	shalt  }
0x82: {  	_ =	shalt  }
0x83: {  	_ =	shalt  }
0x84: {  	_ =	shalt  }
0x85: {  	_ =	shalt  }
0x86: {  	_ =	shalt  }
0x87: {  	_ =	shalt  }
.Lfunc_end0:
.L_simem_size_0:
called_computation_lowered:
.L_overlay_start_0:
0x88: {  	s2 =	sld [smem:$0x3FD9]  }
0x89: {  	s3 =	sld [smem:$0x3FFE];
	_ =	sdelay $0x1  }
0x8a: {  	s1 =	srdreg.scid  }
0x8b: {  	s0 =	sand.u32 $0x1, s1  }
0x8c: {  	s17 =	sshll.u32 s0, $0xA;
	s2 =	sadd.s32 s3, s2  }
0x8d: {  	s2 =	sadd.s32 s2, s17  }
0x8e: {  	[smem:$0x3FBE] =	sst s2  }
0x8f: {  	_ = 	snop  }
0x90: {  	s2 =	sld [smem:$0x3FC3];
	(tm) =	ssettm $0x1  }
0x91: {  	s18 =	sld [smem:$0x3FFB];
	_ =	sdelay $0x3  }
0x92: {  	_ =	strace s18  }
0x93: {  	s3 =	sld [smem:$0x3FFC];
	_ =	sdelay $0x3  }
0x94: {  	_ =	strace s3  }
0x95: {  	s3 =	sld [smem:$0x3FFD];
	_ =	sdelay $0x3  }
0x96: {  	_ =	strace s3  }
0x97: {  	_ =	strace $0x8FFFFFFF  }
0x98: {  	s19 =	sld [smem:$0x3FDB];
	_ =	sdelay $0x1  }
0x99: {  	s4 =	simm.s32 $_scs_section_size  }
0x9a: {  	s5 =	simm.s32 $_size__tile_overlayer_lowered;
	s6 =	simm.s32 $_tile_overlayer_lowered  }
0x9b: {  	s22 =	simm.s32 $0x1BFF;
	s21 =	sshll.u32 s6, $0x1;
	s3 =	sadd.s32 s4, s19  }
0x9c: {  	s7 =	simm.s32 $0x0;
	s20 =	sshll.u32 s5, $0x1;
	s5 =	sadd.s32 s21, s3  }
0x9d: {  	[timem:s7], [sflag:s22] =	dma.local [hbm:s5], s20  }
0x9e: {  	_ =	swait.ge [sflag:s22], s20  }
0x9f: {  	s4 =	ssub.s32 $0x0, s20;
	[sflag:s22] =	ssyncset.done $0x0  }
0xa0: {  	[sflag:s22] =	ssyncadd.s32 s4;
	_ =	sdelay $0x1  }
0xa1: {  	s23 =	simm.s32 $0x1B8B  }
0xa2: {  	_ =	swait.ge [sflag:s23], $0x1  }
0xa3: {  	[sflag:s23] =	ssyncset.done $0x0  }
0xa4: {  	s25 =	simm.s32 $0x1B8E;
	s24 =	sld [smem:$0x3FFE];
	[sflag:s23] =	ssyncadd.s32 $0xFFFFFFFF  }
0xa5: {  	s26 =	simm.s32 $execute0_lowered;
	[smem:$0x3FD2] =	sst s25  }
0xa6: {  	s5 =	sshll.u32 s26, $0x1;
	_ =	strace $0x80000046;
	[dreg:$0x1] =	wrdreg $0xFFFFFFFF  }
0xa7: {  	s28 =	simm.s32 $_size_execute0_lowered;
	s3 =	sadd.s32 s3, s5;
	[dreg:$0x0] =	wrdreg $0x0  }
0xa8: {  	s5 =	sshll.u32 s28, $0x1;
	[dreg:$0x2] =	wrdreg s3  }
0xa9: {  	[dreg:$0x3] =	wrdreg s5  }
0xaa: {  	[dreg:$0x4] =	wrdreg $0xC0  }
0xab: {  	_ =	task [dreg:s7], $0x5FFFF  }
0xac: {  	[dreg:$0x1] =	wrdreg $0xFFFFFFFF  }
0xad: {  	[dreg:$0x0] =	wrdreg $0x60  }
0xae: {  	[dreg:$0x2] =	wrdreg s2  }
0xaf: {  	[dreg:$0x3] =	wrdreg s24  }
0xb0: {  	[dreg:$0x4] =	wrdreg $0x9  }
0xb1: {  	_ =	task.clear_ibuf [dreg:s7], $0x5FFFF;
	_ =	strace $0x90000046  }
0xb2: {  	s29 =	simm.s32 $0x9;
	_ =	strace $0x80000048  }
0xb3: {  	_ =	swait.ge [sflag:s29], $0x1  }
0xb4: {  	[sflag:s29] =	ssyncadd.s32 $0xFFFFFFFF  }
0xb5: {  	_ =	strace $0x90000048  }
0xb6: {  	_ =	sfence  }
0xb7: {  	s30 =	sld [smem:$0x0];
	_ =	sdelay $0x2  }
0xb8: {  	s31 =	sshll.u32 s1, $0xD;
	s1 =	sshrl.u32 s1, $0x2  }
0xb9: {  	s3 =	sand.u32 $0x4000, s31;
	s1 =	sadd.s32 s1, s30  }
0xba: {  	s0 =	sor.u32 s3, s0;
	s1 =	sshll.u32 s1, $0x11  }
0xbb: {  	s0 =	sor.u32 s1, s0  }
0xbc: {  	s0 =	sadd.s32 $0x8F2B, s0  }
0xbd: {  	[sflag:s0] =	ssyncadd.remote.s32 $0x1  }
0xbe: {  	_ =	sfence.sel $0xFFFF  }
0xbf: {  	[dreg:$0x0] =	wrdreg $0xFFFFFFFF;
	(pc) =	sbr.abs _section_cstart, $3  }
0xc0: {  	[dreg:$0x1] =	wrdreg $0xFFFFFFFF  }
0xc1: {  	_ =	task.clear_ibuf [dreg:s7], $0x2FFFF;
	_ =	strace $0x9FFFFFFF  }
0xc2: {  	(tm) =	ssettm $0x7FFFFFFF  }
0xc3: {  	_ =	shalt  }
tec
execute0_lowered:
.L_overlay_start_1:
0x0: {  	(tag) =	ssettag $0x1  }
0x1: {  	s1 =	srdreg.scid  }
0x2: {  	s0 =	stileid.u32;
	s6 =	sand.u32 $0x1, s1  }
0x3: {  	s2 =	rddreg [dreg:$0x0];
	s30 =	sshll.u32 s0, $0x4;
	s3 =	sshll.u32 s6, $0x3  }
0x4: {  	s8 =	rddreg [dreg:$0x1];
	s9 =	sor.u32 s3, s30  }
0x5: {  	s1 =	rddreg [dreg:$0x2];
	s3 =	simm.s32 $0x0;
	s4 =	sshrl.u32 s9, $0x3  }
0x6: {  	[smem:$0x7FF] =	sst s3;
	s4 =	sadd.s32 s4, s8  }
0x7: {  	_ =	strace $0x80000047;
	s5 =	sadd.s32 $0x1800, s4;
	s4 =	simm.s32 $0x2  }
0x8: {  	[tilespmem:s3], [sflag:$0x2] =	stream.linear.gather [hbm4b:s5+s3], $0x8, $0x38;
	[tilespmem:$0x880] =	vst v63  }
0x9: {  	_ =	swait.ge [sflag:s4], $0x8  }
0xa: {  	[sflag:s4] =	ssyncset.done $0x0  }
0xb: {  	[sflag:s4] =	ssyncadd.s32 $0xFFFFFFF8  }
0xc: {  	v0 =	vld.msk [tilespmem:$0x0], $0xff;
	_ =	sdelay $0x4  }
0xd: {  	v1 =	vshll.u32 v0, $0x1  }
0xe: {  	v2 =	vlaneseq.u32;
	v3 =	vand.u32 $0x7, v0;
	v1 =	vand.u32 $0xFFFFFFF0, v1  }
0xf: {  	v0 =	vand.u32 $0x7, v2;
	v2 =	vshrl.u32 v2, $0x3;
	v3 =	vor.u32 v3, v1  }
0x10: {  	v1 =	vmul.u32 $0x8, v2;
	v2 =	vperm.xlane v3, v0;
	_ =	sdelay $0x1  }
0x11: {  	v2 =	vadd.s32 v1, v2  }
0x12: {  	s10 =	ssub.s32 $0x2, s6  }
0x13: {  	s11 =	sshrl.u32 s10, $0x1  }
0x14: {  	s7 =	simm.s32 $0x1;
	s9 =	sshll.u32 s9, $0x5;
	s31 =	ssub.s32 s10, s11  }
0x15: {  	vm0 =	vmmov $0xffff;
	s6 =	simm.s32 $0x80;
	s8 =	sadd.s32 s9, s8;
	s9 =	smax.u32 s31, $0x1  }
0x16: {  	[tilespmem:s6], [sflag:$0x1] =	stream.indirect_vreg.gather [hbm4b:s2+s3], $0x80, v2, vm0, $0xb8;
	[tilespmem:$0x880] =	vst v63  }
0x17: {  	p0 =	sne.s32 s9, $0x1;
	_ =	swait.ge [sflag:s7], $0x800  }
.Ltmp0:
0x18: {  	[sflag:s7] =	ssyncset.done $0x0;
	(pc) =	sbr.rel @!p0 .LBB2_2-.Ltmp0, $4  }
0x19: {  	s8 =	sadd.s32 $0x1A00, s8;
	[sflag:s7] =	ssyncadd.s32 $0xFFFFF800  }
0x1a: {  	[hbm4b:s8+s3] =	stream.linear.scatter [tilespmem:s6], [sflag:$0x2], $0x800, $0x38;
	[tilespmem:$0x880] =	vst v63  }
0x1b: {  	_ =	swait.ge [sflag:s4], $0x800  }
0x1c: {  	s9 =	sadd.s32 $0xFFFFFFFF, s9;
	[sflag:s4] =	ssyncset.done $0x0  }
.LBB2_1:
0x1d: {  	p0 =	sne.s32 s9, $0x1;
	s9 =	sadd.s32 $0xFFFFFFFF, s9;
	[sflag:s4] =	ssyncadd.s32 $0xFFFFF800  }
0x1e: {  	[tilespmem:s3], [sflag:$0x2] =	stream.linear.gather [hbm4b:s5+s3], $0x8, $0x38;
	[tilespmem:$0x880] =	vst v63  }
0x1f: {  	_ =	swait.ge [sflag:s4], $0x8  }
0x20: {  	[sflag:s4] =	ssyncset.done $0x0  }
0x21: {  	[sflag:s4] =	ssyncadd.s32 $0xFFFFFFF8  }
0x22: {  	v2 =	vld.msk [tilespmem:$0x0], $0xff;
	_ =	sdelay $0x4  }
0x23: {  	v3 =	vshll.u32 v2, $0x1  }
0x24: {  	v2 =	vand.u32 $0x7, v2;
	v3 =	vand.u32 $0xFFFFFFF0, v3  }
0x25: {  	v2 =	vor.u32 v2, v3  }
0x26: {  	v2 =	vperm.xlane v2, v0;
	_ =	sdelay $0x1  }
0x27: {  	v2 =	vadd.s32 v1, v2;
	_ =	sdelay $0x4  }
0x28: {  	[tilespmem:s6], [sflag:$0x1] =	stream.indirect_vreg.gather [hbm4b:s2+s3], $0x80, v2, vm0, $0xb8;
	[tilespmem:$0x880] =	vst v63  }
0x29: {  	_ =	swait.ge [sflag:s7], $0x800  }
.Ltmp1:
0x2a: {  	[sflag:s7] =	ssyncset.done $0x0;
	(pc) =	sbr.rel @p0 .LBB2_1-.Ltmp1, $4  }
0x2b: {  	[sflag:s7] =	ssyncadd.s32 $0xFFFFF800  }
0x2c: {  	[hbm4b:s8+s3] =	stream.linear.scatter [tilespmem:s6], [sflag:$0x2], $0x800, $0x38;
	[tilespmem:$0x880] =	vst v63  }
0x2d: {  	_ =	swait.ge [sflag:s4], $0x800  }
0x2e: {  	[sflag:s4] =	ssyncset.done $0x0  }
.LBB2_2:
0x2f: {  	[sflag:s4] =	ssyncadd.s32 $0xFFFFF800  }
0x30: {  	_ =	sfence.sel $0x180000  }
0x31: {  	[bflag:$0x0] =	sbarrier.arrive $0xFFFF  }
0x32: {  	p0 =	sne.s32 s0, $0x0;
	_ =	strace $0x90000047  }
0x33: {  	s0 =	sadd.s32 @!p0 $0x100000, s1;
	[bflag:$0x2] =	sbarrier.arrive $0xFFFF  }
0x34: {  	[sflag:s0] =	ssyncadd.tile.s32 @!p0 $0x1;
	_ =	shalt  }
.Lfunc_end2:
_tile_overlayer_lowered:
.L_overlay_start_2:
0x35: {  	(tag) =	ssettag $0x2  }
0x36: {  	s0 =	rddreg [dreg:$0x0];
	s2 =	stileid.u32  }
0x37: {  	s1 =	rddreg [dreg:$0x1];
	p0 =	sne.s32 s2, $0x0  }
0x38: {  	s3 =	rddreg [dreg:$0x2];
	[bflag:$0x3] =	sbarrier.arrive $0xFFFF;
	s2 =	simm.s32 @!p0 $0x1C02  }
0x39: {  	[timem:s3], [sflag:s2] =	dma.local @!p0 [hbm:s0], s1  }
0x3a: {  	s0 =	simm.s32 @!p0 $0x2  }
0x3b: {  	_ =	swait.ge @!p0 [sflag:s0], s1  }
0x3c: {  	s1 =	ssub.s32 @!p0 $0x0, s1;
	[sflag:s0] =	ssyncset.done @!p0 $0x0  }
0x3d: {  	[sflag:s0] =	ssyncadd.s32 @!p0 s1  }
0x3e: {  	[bflag:$0x3] =	sbarrier.arrive $0xFFFF  }
0x3f: {  	_ =	shalt  }

</sc_bundles>
